<compile_context>
chip_gen: v7x
topology: tpu7x:2x2x1
jax: 0.10.2.dev20260603
libtpu: 0.0.44.dev20260713+nightly
codegen_flags: <defaults>
</compile_context>

<pallas_src>
import functools
import math

import jax
import jax.numpy as jnp
from jax import lax
from jax.experimental import pallas as pl
from jax.experimental.pallas import tpu as pltpu
from jax.experimental.pallas import tpu_sc as plsc

N = 10000
D = 128
E = 320000
NENT = 100
NB = 10
BLK = N // NB


def _ln(x, w, b, eps=1e-5):
    mu = jnp.mean(x, axis=-1, keepdims=True)
    var = jnp.mean((x - mu) ** 2, axis=-1, keepdims=True)
    return (x - mu) * lax.rsqrt(var + eps) * w + b



NC, NS = 2, 16
NW = NC * NS
EPW = E // NW
HCH = 2000

def _hist_body(col_hbm, out_hbm, colv, hist_v, sem):
    wid = lax.axis_index("s") * NC + lax.axis_index("c")
    zero16 = jnp.zeros((16,), jnp.float32)
    one16 = jnp.full((16,), 1.0, jnp.float32)

    def zbody(i, _):
        hist_v[pl.ds(pl.multiple_of(i * 16, 16), 16)] = zero16
        return 0
    lax.fori_loop(0, N // 16, zbody, 0)

    base = wid * EPW

    def chunk(c, _):
        pltpu.sync_copy(col_hbm.at[pl.ds(base + c * HCH, HCH)], colv)

        def ibody(i, _):
            idx16 = colv[pl.ds(pl.multiple_of(i * 16, 16), 16)]
            plsc.addupdate_scatter(hist_v, [idx16], one16)
            return 0
        lax.fori_loop(0, HCH // 16, ibody, 0)
        return 0
    lax.fori_loop(0, EPW // HCH, chunk, 0)

    pltpu.sync_copy(hist_v, out_hbm.at[wid])


def _sc_hist(col):
    mesh = plsc.VectorSubcoreMesh(core_axis_name="c", subcore_axis_name="s")
    f = pl.kernel(
        _hist_body,
        out_type=jax.ShapeDtypeStruct((NW, N), jnp.float32),
        mesh=mesh,
        compiler_params=pltpu.CompilerParams(needs_layout_passes=False),
        scratch_types=[
            pltpu.VMEM((HCH,), jnp.int32),
            pltpu.VMEM((N,), jnp.float32),
            pltpu.SemaphoreType.DMA,
        ],
    )
    return f(col)



CHUNK = 128
KCH = 80
EPAD = NW * KCH * CHUNK
RPT = N // NS


def _lane_bcast(v, l):
    dnums = lax.GatherDimensionNumbers(
        offset_dims=(), collapsed_slice_dims=(0,), start_index_map=(0,))
    idx = jnp.full((16, 1), l, jnp.int32)
    return lax.gather(v, idx, dnums, (1,),
                      mode=lax.GatherScatterMode.PROMISE_IN_BOUNDS)


def _scat_body(g_hbm, rc_hbm, ew_hbm, zeros_hbm, out_hbm,
               rc0, rc1, ew0, ew1, rows0, rows1, acc_sh, sem0, sem1,
               isem0, isem1, esem0, esem1):
    cid = lax.axis_index("c")
    sid = lax.axis_index("s")
    wid = sid * NC + cid

    pltpu.sync_copy(zeros_hbm, acc_sh.at[pl.ds(sid * RPT, RPT)])
    plsc.subcore_barrier()

    bufs = (rows0, rows1)
    sems = (sem0, sem1)
    rcs = (rc0, rc1)
    ews = (ew0, ew1)

    def scale(rows_v, ew_v):
        def gbody(gr, _):
            wv = ew_v[pl.ds(pl.multiple_of(gr * 16, 16), 16)]

            def jbody(j, _):
                w = _lane_bcast(wv, j)
                e = gr * 16 + j
                for q in range(D // 16):
                    sl = pl.ds(q * 16, 16)
                    rows_v[e, sl] = rows_v[e, sl] * w
                return 0
            lax.fori_loop(0, 16, jbody, 0)
            return 0
        lax.fori_loop(0, CHUNK // 16, gbody, 0)

    pltpu.sync_copy(rc_hbm.at[wid, 0], rc0)
    pltpu.sync_copy(ew_hbm.at[wid, 0], ew0)
    pltpu.make_async_copy(g_hbm.at[rc0.at[0]], rows0, sem0).start()
    pltpu.make_async_copy(rc_hbm.at[wid, 1], rc1, isem1).start()
    pltpu.make_async_copy(ew_hbm.at[wid, 1], ew1, esem1).start()

    isems = (isem0, isem1)
    esems = (esem0, esem1)

    def pair(j, _):
        for b in range(2):
            k = 2 * j + b

            @pl.when(k + 1 < KCH)
            def _():
                pltpu.make_async_copy(
                    rc_hbm.at[wid, k + 1], rcs[1 - b], isems[1 - b]).wait()
                pltpu.make_async_copy(
                    ew_hbm.at[wid, k + 1], ews[1 - b], esems[1 - b]).wait()
                pltpu.make_async_copy(
                    g_hbm.at[rcs[1 - b].at[0]], bufs[1 - b],
                    sems[1 - b]).start()

            pltpu.make_async_copy(
                g_hbm.at[rcs[b].at[0]], bufs[b], sems[b]).wait()
            scale(bufs[b], ews[b])
            pltpu.sync_copy(bufs[b], acc_sh.at[rcs[b].at[1]], add=True)

            @pl.when(k + 2 < KCH)
            def _():
                pltpu.make_async_copy(
                    rc_hbm.at[wid, k + 2], rcs[b], isems[b]).start()
                pltpu.make_async_copy(
                    ew_hbm.at[wid, k + 2], ews[b], esems[b]).start()
        return 0

    lax.fori_loop(0, KCH // 2, pair, 0)

    plsc.subcore_barrier()
    pltpu.sync_copy(acc_sh.at[pl.ds(sid * RPT, RPT)], out_hbm.at[cid, sid])


def _sc_scatter(g, rc4, ew3, zeros):
    mesh = plsc.VectorSubcoreMesh(core_axis_name="c", subcore_axis_name="s")
    f = pl.kernel(
        _scat_body,
        out_type=jax.ShapeDtypeStruct((NC, NS, RPT, D), jnp.float32),
        mesh=mesh,
        compiler_params=pltpu.CompilerParams(needs_layout_passes=False),
        scratch_types=[
            pltpu.VMEM((2, CHUNK), jnp.int32),
            pltpu.VMEM((2, CHUNK), jnp.int32),
            pltpu.VMEM((CHUNK,), jnp.float32),
            pltpu.VMEM((CHUNK,), jnp.float32),
            pltpu.VMEM((CHUNK, D), jnp.float32),
            pltpu.VMEM((CHUNK, D), jnp.float32),
            pltpu.VMEM_SHARED((N, D), jnp.float32),
            pltpu.SemaphoreType.DMA,
            pltpu.SemaphoreType.DMA,
            pltpu.SemaphoreType.DMA,
            pltpu.SemaphoreType.DMA,
            pltpu.SemaphoreType.DMA,
            pltpu.SemaphoreType.DMA,
        ],
    )
    return f(g, rc4, ew3, zeros)



def _dense_body(x_ref, pe_ref, hist_ref, W_ref, linW_ref, nw_ref, nb_ref,
                cw_ref, cb_ref, lb_ref, ee_ref,
                h_ref, g_ref, hd_ref, dinv_ref):
    x = x_ref[...]
    pe = pe_ref[0]
    xb = x.astype(jnp.bfloat16)

    def body(e, acc):
        m = (pe == e)
        xm = jnp.where(m, xb, jnp.zeros_like(xb))
        w = W_ref[e].astype(jnp.bfloat16)
        return acc + lax.dot_general(
            xm, w, (((1,), (0,)), ((), ())),
            preferred_element_type=jnp.float32)

    acc = lax.fori_loop(0, NENT, body, jnp.zeros((BLK, D), jnp.float32))
    ns = _ln(acc, nw_ref[0], nb_ref[0])
    ns = jnp.maximum(ns, 0.0)
    h = lax.dot_general(
        ns.astype(jnp.bfloat16), linW_ref[...].astype(jnp.bfloat16),
        (((1,), (1,)), ((), ())), preferred_element_type=jnp.float32)
    h = h + lb_ref[0]
    h = _ln(h, cw_ref[0], cb_ref[0])
    deg = 1.0 + jnp.sum(hist_ref[0], axis=-1, keepdims=True)
    dinv = lax.rsqrt(deg)
    h_ref[...] = h
    g_ref[...] = h * dinv * ee_ref[...]
    hd_ref[...] = h * (dinv * dinv)
    dinv_ref[0] = dinv


def _tc_dense(x, pe3, hist, W, linW, nw, nb, cw, cb, lb, ee):
    grid = (NB,)
    return pl.pallas_call(
        _dense_body,
        grid=grid,
        in_specs=[
            pl.BlockSpec((BLK, D), lambda i: (i, 0)),
            pl.BlockSpec((1, BLK, 1), lambda i: (i, 0, 0)),
            pl.BlockSpec((1, BLK, 32), lambda i: (i, 0, 0)),
            pl.BlockSpec((NENT, D, D), lambda i: (0, 0, 0)),
            pl.BlockSpec((D, D), lambda i: (0, 0)),
            pl.BlockSpec((1, D), lambda i: (0, 0)),
            pl.BlockSpec((1, D), lambda i: (0, 0)),
            pl.BlockSpec((1, D), lambda i: (0, 0)),
            pl.BlockSpec((1, D), lambda i: (0, 0)),
            pl.BlockSpec((1, D), lambda i: (0, 0)),
            pl.BlockSpec((1, D), lambda i: (0, 0)),
        ],
        out_specs=[
            pl.BlockSpec((BLK, D), lambda i: (i, 0)),
            pl.BlockSpec((BLK, D), lambda i: (i, 0)),
            pl.BlockSpec((BLK, D), lambda i: (i, 0)),
            pl.BlockSpec((1, BLK, 1), lambda i: (i, 0, 0)),
        ],
        out_shape=[
            jax.ShapeDtypeStruct((N, D), jnp.float32),
            jax.ShapeDtypeStruct((N, D), jnp.float32),
            jax.ShapeDtypeStruct((N, D), jnp.float32),
            jax.ShapeDtypeStruct((NB, BLK, 1), jnp.float32),
        ],
    )(x, pe3, hist, W, linW, nw, nb, cw, cb, lb, ee)



def _combine_body(acc_ref, hd_ref, dinv_ref, out_ref):
    s = acc_ref[0] + acc_ref[1]
    out_ref[...] = jnp.maximum(s * dinv_ref[0] + hd_ref[...], 0.0)


def _tc_combine(acc, hd, dinv3):
    return pl.pallas_call(
        _combine_body,
        grid=(NB,),
        in_specs=[
            pl.BlockSpec((2, BLK, D), lambda i: (0, i, 0)),
            pl.BlockSpec((BLK, D), lambda i: (i, 0)),
            pl.BlockSpec((1, BLK, 1), lambda i: (i, 0, 0)),
        ],
        out_specs=pl.BlockSpec((BLK, D), lambda i: (i, 0)),
        out_shape=jax.ShapeDtypeStruct((N, D), jnp.float32),
    )(acc, hd, dinv3)



def kernel(node_state, edge_index, point_enc, edge_weight, point_enc_w,
           norm_w, norm_b, edge_enc, lin_W, lin_b, conv_ln_w, conv_ln_b):
    x = node_state.reshape(N, D)
    pe3 = point_enc.reshape(NB, BLK, 1).astype(jnp.int32)
    row = edge_index[0, 0].astype(jnp.int32)
    col = edge_index[0, 1].astype(jnp.int32)
    ew = edge_weight.reshape(E)
    ee = jnp.broadcast_to(edge_enc.reshape(1, 1), (1, D))

    hist32 = _sc_hist(col)
    hist = hist32.T.reshape(NB, BLK, 32)

    pad = EPAD - E
    row3 = jnp.concatenate([row, jnp.zeros((pad,), jnp.int32)]).reshape(
        NW, KCH, CHUNK)
    col3 = jnp.concatenate([col, jnp.zeros((pad,), jnp.int32)]).reshape(
        NW, KCH, CHUNK)
    ew3 = jnp.concatenate([ew, jnp.zeros((pad,), jnp.float32)]).reshape(
        NW, KCH, CHUNK)
    rc4 = jnp.stack([row3, col3], axis=2)

    h, g, hd, dinv3 = _tc_dense(
        x, pe3, hist, point_enc_w, lin_W,
        norm_w.reshape(1, D), norm_b.reshape(1, D),
        conv_ln_w.reshape(1, D), conv_ln_b.reshape(1, D),
        lin_b.reshape(1, D), ee)

    zeros = jnp.zeros((RPT, D), jnp.float32)
    acc = _sc_scatter(g, rc4, ew3, zeros).reshape(NC, N, D)

    out = _tc_combine(acc, hd, dinv3)
    return out.reshape(1, N, D)

# --- scband reference (transcript-rebuilt; emitter-appended) ---
"""Pipeline reference for scband-spatial-layer-18597208391972 (READ-ONLY COPY).

The authoritative reference and input builder live on the scoring server;
editing this copy changes nothing except your own understanding.
"""

import jax, jax.numpy as jnp
import numpy as np

T, N, E = 1, 10000, 320000
D = 128
ENTITIES = 100


def _layernorm(x, w, b, eps=1e-5):
    mu = jnp.mean(x, axis=-1, keepdims=True)
    var = jnp.mean((x - mu) ** 2, axis=-1, keepdims=True)
    return (x - mu) / jnp.sqrt(var + eps) * w + b


def _gcn_conv(x, edge_index, edge_weight, edge_enc, lin_W, lin_b, conv_ln_w, conv_ln_b):
    n = x.shape[0]
    # edge_weight = (edge_enc_bipartite * edge_weight).view(-1)
    ew = (edge_enc.reshape(()) * edge_weight).reshape(-1)
    # add_self_loops with fill_value=1.0
    loop = jnp.arange(n, dtype=edge_index.dtype)
    row = jnp.concatenate([edge_index[0], loop])
    col = jnp.concatenate([edge_index[1], loop])
    ew = jnp.concatenate([ew, jnp.ones((n,), dtype=x.dtype)])
    # edge_grad_storage and learning_weight are all-ones in need_grad=False path
    h = x @ lin_W.T + lin_b
    h = _layernorm(h, conv_ln_w, conv_ln_b)
    # dropout is identity in eval mode
    deg = jnp.zeros((n,), dtype=x.dtype).at[col].add(1.0)
    deg_inv_sqrt = deg ** -0.5
    nrm = deg_inv_sqrt[row] * deg_inv_sqrt[col]
    msg = (nrm * ew)[:, None] * h[row]
    out = jnp.zeros_like(h).at[col].add(msg)
    return out


def setup_inputs(seed: int = 0) -> dict:
    key = jax.random.key(seed)
    ks = [jax.random.fold_in(key, i) for i in range(12)]
    node_state = jax.random.normal(ks[0], (T, N, D), dtype=jnp.float32)
    edge_index = jax.random.randint(ks[1], (T, 2, E), 0, N, dtype=jnp.int64)
    point_enc = jax.random.randint(ks[2], (T, N), 0, ENTITIES, dtype=jnp.int64)
    edge_weight = jax.random.uniform(ks[3], (T, E), dtype=jnp.float32)
    # learned parameters
    point_enc_w = jax.random.normal(ks[4], (ENTITIES, D, D), dtype=jnp.float32) * (2.0 / D) ** 0.5
    norm_w = jnp.ones((D,), dtype=jnp.float32)
    norm_b = jnp.zeros((D,), dtype=jnp.float32)
    edge_enc = jnp.full((1, 1), 0.1, dtype=jnp.float32)
    lin_W = jax.random.normal(ks[5], (D, D), dtype=jnp.float32) * (2.0 / D) ** 0.5
    lin_b = jnp.zeros((D,), dtype=jnp.float32)
    conv_ln_w = jnp.ones((D,), dtype=jnp.float32)
    conv_ln_b = jnp.zeros((D,), dtype=jnp.float32)
    return {
        'node_state': node_state, 'edge_index': edge_index, 'point_enc': point_enc,
        'edge_weight': edge_weight, 'point_enc_w': point_enc_w, 'norm_w': norm_w,
        'norm_b': norm_b, 'edge_enc': edge_enc, 'lin_W': lin_W, 'lin_b': lin_b,
        'conv_ln_w': conv_ln_w, 'conv_ln_b': conv_ln_b,
    }


def reference(node_state, edge_index, point_enc, edge_weight, point_enc_w,
              norm_w, norm_b, edge_enc, lin_W, lin_b, conv_ln_w, conv_ln_b):
    # point_encoding = point_enc_w[point_enc]  -> [T, N, D, D]
    pe = jnp.take(point_enc_w, point_enc, axis=0)
    # matmul(node_state.unsqueeze(2), pe).squeeze(2)
    ns = jnp.einsum('tni,tniu->tnu', node_state, pe)
    ns = _layernorm(ns, norm_w, norm_b)
    ns = jax.nn.relu(ns)
    # dropout identity (eval)
    outs = []
    for t in range(ns.shape[0]):
        outs.append(_gcn_conv(ns[t], edge_index[t], edge_weight[t],
                              edge_enc, lin_W, lin_b, conv_ln_w, conv_ln_b))
    res = jnp.stack(outs, axis=0)
    return jax.nn.relu(res)

if __name__ == "__main__":
    import jax
    _d = setup_inputs()
    print(jax.jit(kernel)(*tuple(_d.values())))

</pallas_src>

<mosaic_0001>
#map = affine_map<(d0, d1) -> (0, 0)>
#map1 = affine_map<(d0, d1) -> (0, 0, 0, 0)>
#map2 = affine_map<(d0, d1) -> (0, 0, 0)>
module attributes {stable_mosaic.version = 14 : i64} {
  func.func @_scat_body(%arg0: i32, %arg1: i32, %arg2: memref<10000x128xf32, #tpu.memory_space<hbm>>, %arg3: memref<32x80x2x128xi32, #tpu.memory_space<hbm>>, %arg4: memref<32x80x128xf32, #tpu.memory_space<hbm>>, %arg5: memref<625x128xf32, #tpu.memory_space<hbm>>, %arg6: memref<2x16x625x128xf32, #tpu.memory_space<hbm>>, %arg7: memref<2x128xi32, #tpu.memory_space<vmem>>, %arg8: memref<2x128xi32, #tpu.memory_space<vmem>>, %arg9: memref<128xf32, #tpu.memory_space<vmem>>, %arg10: memref<128xf32, #tpu.memory_space<vmem>>, %arg11: memref<128x128xf32, #tpu.memory_space<vmem>>, %arg12: memref<128x128xf32, #tpu.memory_space<vmem>>, %arg13: memref<10000x128xf32, #tpu.memory_space<vmem_shared>>, %arg14: memref<!tpu.dma_semaphore, #tpu.memory_space<semaphore_mem>>, %arg15: memref<!tpu.dma_semaphore, #tpu.memory_space<semaphore_mem>>, %arg16: memref<!tpu.dma_semaphore, #tpu.memory_space<semaphore_mem>>, %arg17: memref<!tpu.dma_semaphore, #tpu.memory_space<semaphore_mem>>, %arg18: memref<!tpu.dma_semaphore, #tpu.memory_space<semaphore_mem>>, %arg19: memref<!tpu.dma_semaphore, #tpu.memory_space<semaphore_mem>>) attributes {dimension_semantics = [#tpu.dimension_semantics<core_parallel>, #tpu.dimension_semantics<subcore_parallel>], iteration_bounds = array<i64: 2, 16>, scalar_prefetch = 0 : i64, scratch_operands = 13 : i64, tpu.core_type = #tpu.core_type<sc_vector_subcore>, window_params = [{transform_indices = #map}, {transform_indices = #map1}, {transform_indices = #map2}, {transform_indices = #map}, {transform_indices = #map1}]} {
    %mul3A = arith.constant 2 : i32
    %mul3A_0 = arith.muli %arg1, %mul3A : i32
    %add3A = arith.addi %mul3A_0, %arg0 : i32
    %mul3A_1 = arith.constant 625 : i32
    %mul3A_2 = arith.muli %arg1, %mul3A_1 : i32
    "tpu.region"() ({
      %run_scoped3A_35 = tpu.sem_alloc : memref<!tpu.dma_semaphore, #tpu.memory_space<semaphore_mem>>
      %dma_start3A_36 = arith.constant 0 : i32
      %dma_start3A_37 = tpu.memref_slice %arg13[%mul3A_2, %dma_start3A_36] : memref<10000x128xf32, #tpu.memory_space<vmem_shared>> -> memref<625x128xf32, #tpu.memory_space<vmem_shared>>
      tpu.enqueue_dma source(%arg5 : memref<625x128xf32, #tpu.memory_space<hbm>>) target(%dma_start3A_37 : memref<625x128xf32, #tpu.memory_space<vmem_shared>>) target_semaphore(%run_scoped3A_35 : memref<!tpu.dma_semaphore, #tpu.memory_space<semaphore_mem>>)
      %dma_wait3A = arith.constant 0 : i32
      %dma_wait3A_38 = tpu.memref_slice %arg13[%mul3A_2, %dma_wait3A] : memref<10000x128xf32, #tpu.memory_space<vmem_shared>> -> memref<625x128xf32, #tpu.memory_space<vmem_shared>>
      tpu.wait_dma2 semaphore(%run_scoped3A_35 : memref<!tpu.dma_semaphore, #tpu.memory_space<semaphore_mem>>) src(%arg5 : memref<625x128xf32, #tpu.memory_space<hbm>>) dst(%dma_wait3A_38 : memref<625x128xf32, #tpu.memory_space<vmem_shared>>)
      tpu.yield
    }) : () -> ()
    %barrier3A = arith.constant 0 : index
    tpu.barrier barrier_id(%barrier3A)
    %run_scoped3A = arith.constant 0 : i32
    "tpu.region"() ({
      %run_scoped3A_35 = tpu.sem_alloc : memref<!tpu.dma_semaphore, #tpu.memory_space<semaphore_mem>>
      %dma_start3A_36 = arith.constant 0 : i32
      %dma_start3A_37 = arith.constant 0 : i32
      %dma_start3A_38 = tpu.memref_slice %arg3[%add3A, %run_scoped3A, %dma_start3A_36, %dma_start3A_37] : memref<32x80x2x128xi32, #tpu.memory_space<hbm>> -> memref<1x1x2x128xi32, #tpu.memory_space<hbm>>
      %dma_start3A_39 = tpu.memref_squeeze %dma_start3A_38 : memref<1x1x2x128xi32, #tpu.memory_space<hbm>> -> memref<2x128xi32, #tpu.memory_space<hbm>>
      %dma_start3A_40 = arith.constant 0 : i32
      %dma_start3A_41 = arith.constant 0 : i32
      %dma_start3A_42 = tpu.memref_slice %arg3[%add3A, %run_scoped3A, %dma_start3A_40, %dma_start3A_41] : memref<32x80x2x128xi32, #tpu.memory_space<hbm>> -> memref<1x1x2x128xi32, #tpu.memory_space<hbm>>
      %dma_start3A_43 = tpu.memref_squeeze %dma_start3A_42 : memref<1x1x2x128xi32, #tpu.memory_space<hbm>> -> memref<2x128xi32, #tpu.memory_space<hbm>>
      tpu.enqueue_dma source(%dma_start3A_43 : memref<2x128xi32, #tpu.memory_space<hbm>>) target(%arg7 : memref<2x128xi32, #tpu.memory_space<vmem>>) target_semaphore(%run_scoped3A_35 : memref<!tpu.dma_semaphore, #tpu.memory_space<semaphore_mem>>)
      %dma_wait3A = arith.constant 0 : i32
      %dma_wait3A_44 = arith.constant 0 : i32
      %dma_wait3A_45 = tpu.memref_slice %arg3[%add3A, %run_scoped3A, %dma_wait3A, %dma_wait3A_44] : memref<32x80x2x128xi32, #tpu.memory_space<hbm>> -> memref<1x1x2x128xi32, #tpu.memory_space<hbm>>
      %dma_wait3A_46 = tpu.memref_squeeze %dma_wait3A_45 : memref<1x1x2x128xi32, #tpu.memory_space<hbm>> -> memref<2x128xi32, #tpu.memory_space<hbm>>
      %dma_wait3A_47 = arith.constant 0 : i32
      %dma_wait3A_48 = arith.constant 0 : i32
      %dma_wait3A_49 = tpu.memref_slice %arg3[%add3A, %run_scoped3A, %dma_wait3A_47, %dma_wait3A_48] : memref<32x80x2x128xi32, #tpu.memory_space<hbm>> -> memref<1x1x2x128xi32, #tpu.memory_space<hbm>>
      %dma_wait3A_50 = tpu.memref_squeeze %dma_wait3A_49 : memref<1x1x2x128xi32, #tpu.memory_space<hbm>> -> memref<2x128xi32, #tpu.memory_space<hbm>>
      tpu.wait_dma2 semaphore(%run_scoped3A_35 : memref<!tpu.dma_semaphore, #tpu.memory_space<semaphore_mem>>) src(%dma_wait3A_50 : memref<2x128xi32, #tpu.memory_space<hbm>>) dst(%arg7 : memref<2x128xi32, #tpu.memory_space<vmem>>)
      tpu.yield
    }) : () -> ()
    %run_scoped3A_3 = arith.constant 0 : i32
    "tpu.region"() ({
      %run_scoped3A_35 = tpu.sem_alloc : memref<!tpu.dma_semaphore, #tpu.memory_space<semaphore_mem>>
      %dma_start3A_36 = arith.constant 0 : i32
      %dma_start3A_37 = tpu.memref_slice %arg4[%add3A, %run_scoped3A_3, %dma_start3A_36] : memref<32x80x128xf32, #tpu.memory_space<hbm>> -> memref<1x1x128xf32, #tpu.memory_space<hbm>>
      %dma_start3A_38 = tpu.memref_squeeze %dma_start3A_37 : memref<1x1x128xf32, #tpu.memory_space<hbm>> -> memref<128xf32, #tpu.memory_space<hbm>>
      %dma_start3A_39 = arith.constant 0 : i32
      %dma_start3A_40 = tpu.memref_slice %arg4[%add3A, %run_scoped3A_3, %dma_start3A_39] : memref<32x80x128xf32, #tpu.memory_space<hbm>> -> memref<1x1x128xf32, #tpu.memory_space<hbm>>
      %dma_start3A_41 = tpu.memref_squeeze %dma_start3A_40 : memref<1x1x128xf32, #tpu.memory_space<hbm>> -> memref<128xf32, #tpu.memory_space<hbm>>
      tpu.enqueue_dma source(%dma_start3A_41 : memref<128xf32, #tpu.memory_space<hbm>>) target(%arg9 : memref<128xf32, #tpu.memory_space<vmem>>) target_semaphore(%run_scoped3A_35 : memref<!tpu.dma_semaphore, #tpu.memory_space<semaphore_mem>>)
      %dma_wait3A = arith.constant 0 : i32
      %dma_wait3A_42 = tpu.memref_slice %arg4[%add3A, %run_scoped3A_3, %dma_wait3A] : memref<32x80x128xf32, #tpu.memory_space<hbm>> -> memref<1x1x128xf32, #tpu.memory_space<hbm>>
      %dma_wait3A_43 = tpu.memref_squeeze %dma_wait3A_42 : memref<1x1x128xf32, #tpu.memory_space<hbm>> -> memref<128xf32, #tpu.memory_space<hbm>>
      %dma_wait3A_44 = arith.constant 0 : i32
      %dma_wait3A_45 = tpu.memref_slice %arg4[%add3A, %run_scoped3A_3, %dma_wait3A_44] : memref<32x80x128xf32, #tpu.memory_space<hbm>> -> memref<1x1x128xf32, #tpu.memory_space<hbm>>
      %dma_wait3A_46 = tpu.memref_squeeze %dma_wait3A_45 : memref<1x1x128xf32, #tpu.memory_space<hbm>> -> memref<128xf32, #tpu.memory_space<hbm>>
      tpu.wait_dma2 semaphore(%run_scoped3A_35 : memref<!tpu.dma_semaphore, #tpu.memory_space<semaphore_mem>>) src(%dma_wait3A_46 : memref<128xf32, #tpu.memory_space<hbm>>) dst(%arg9 : memref<128xf32, #tpu.memory_space<vmem>>)
      tpu.yield
    }) : () -> ()
    %dma_start3A = arith.constant 0 : i32
    %dma_start3A_4 = arith.constant 0 : i32
    %dma_start3A_5 = tpu.memref_slice %arg7[%dma_start3A, %dma_start3A_4] : memref<2x128xi32, #tpu.memory_space<vmem>> -> memref<1x128xi32, #tpu.memory_space<vmem>>
    %dma_start3A_6 = tpu.memref_squeeze %dma_start3A_5 : memref<1x128xi32, #tpu.memory_space<vmem>> -> memref<128xi32, #tpu.memory_space<vmem>>
    %dma_start3A_7 = arith.constant 0 : i32
    %dma_start3A_8 = arith.constant 0 : i32
    %dma_start3A_9 = tpu.memref_slice %arg2[%dma_start3A_7, %dma_start3A_8] : memref<10000x128xf32, #tpu.memory_space<hbm>> -> memref<10000x128xf32, #tpu.memory_space<hbm>>
    tpu.enqueue_indirect_dma source(%dma_start3A_9 : memref<10000x128xf32, #tpu.memory_space<hbm>>) target(%arg11 : memref<128x128xf32, #tpu.memory_space<vmem>>) offsets(%dma_start3A_6 : memref<128xi32, #tpu.memory_space<vmem>>) semaphore(%arg14 : memref<!tpu.dma_semaphore, #tpu.memory_space<semaphore_mem>>)
    %dma_start3A_10 = arith.constant 1 : i32
    %dma_start3A_11 = arith.constant 0 : i32
    %dma_start3A_12 = arith.constant 0 : i32
    %dma_start3A_13 = tpu.memref_slice %arg3[%add3A, %dma_start3A_10, %dma_start3A_11, %dma_start3A_12] : memref<32x80x2x128xi32, #tpu.memory_space<hbm>> -> memref<1x1x2x128xi32, #tpu.memory_space<hbm>>
    %dma_start3A_14 = tpu.memref_squeeze %dma_start3A_13 : memref<1x1x2x128xi32, #tpu.memory_space<hbm>> -> memref<2x128xi32, #tpu.memory_space<hbm>>
    %dma_start3A_15 = arith.constant 0 : i32
    %dma_start3A_16 = arith.constant 0 : i32
    %dma_start3A_17 = tpu.memref_slice %arg3[%add3A, %dma_start3A_10, %dma_start3A_15, %dma_start3A_16] : memref<32x80x2x128xi32, #tpu.memory_space<hbm>> -> memref<1x1x2x128xi32, #tpu.memory_space<hbm>>
    %dma_start3A_18 = tpu.memref_squeeze %dma_start3A_17 : memref<1x1x2x128xi32, #tpu.memory_space<hbm>> -> memref<2x128xi32, #tpu.memory_space<hbm>>
    tpu.enqueue_dma source(%dma_start3A_18 : memref<2x128xi32, #tpu.memory_space<hbm>>) target(%arg8 : memref<2x128xi32, #tpu.memory_space<vmem>>) target_semaphore(%arg17 : memref<!tpu.dma_semaphore, #tpu.memory_space<semaphore_mem>>)
    %dma_start3A_19 = arith.constant 1 : i32
    %dma_start3A_20 = arith.constant 0 : i32
    %dma_start3A_21 = tpu.memref_slice %arg4[%add3A, %dma_start3A_19, %dma_start3A_20] : memref<32x80x128xf32, #tpu.memory_space<hbm>> -> memref<1x1x128xf32, #tpu.memory_space<hbm>>
    %dma_start3A_22 = tpu.memref_squeeze %dma_start3A_21 : memref<1x1x128xf32, #tpu.memory_space<hbm>> -> memref<128xf32, #tpu.memory_space<hbm>>
    %dma_start3A_23 = arith.constant 0 : i32
    %dma_start3A_24 = tpu.memref_slice %arg4[%add3A, %dma_start3A_19, %dma_start3A_23] : memref<32x80x128xf32, #tpu.memory_space<hbm>> -> memref<1x1x128xf32, #tpu.memory_space<hbm>>
    %dma_start3A_25 = tpu.memref_squeeze %dma_start3A_24 : memref<1x1x128xf32, #tpu.memory_space<hbm>> -> memref<128xf32, #tpu.memory_space<hbm>>
    tpu.enqueue_dma source(%dma_start3A_25 : memref<128xf32, #tpu.memory_space<hbm>>) target(%arg10 : memref<128xf32, #tpu.memory_space<vmem>>) target_semaphore(%arg19 : memref<!tpu.dma_semaphore, #tpu.memory_space<semaphore_mem>>)
    %scan3A = arith.constant 0 : i32
    %scan3A_26 = arith.constant 0 : i32
    %scan3A_27 = arith.constant 40 : i32
    %scan3A_28 = arith.addi %scan3A_26, %scan3A_27 : i32
    %scan3A_29 = arith.constant 1 : i32
    %scan3A_30 = scf.for %scan3A_35 = %scan3A_26 to %scan3A_28 step %scan3A_29 iter_args(%scan3A_36 = %scan3A) -> (i32)  : i32 {
      %mul3A_37 = arith.constant 2 : i32
      %mul3A_38 = arith.muli %mul3A_37, %scan3A_35 : i32
      %add3A_39 = arith.constant 0 : i32
      %add3A_40 = arith.addi %mul3A_38, %add3A_39 : i32
      %add3A_41 = arith.constant 1 : i32
      %add3A_42 = arith.addi %add3A_40, %add3A_41 : i32
      %lt3A = arith.constant 80 : i32
      %lt3A_43 = arith.cmpi slt, %add3A_42, %lt3A : i32
      %convert_element_type3A = arith.extui %lt3A_43 : i1 to i32
      %cond3A = arith.constant 0 : i32
      %cond3A_44 = arith.cmpi ne, %convert_element_type3A, %cond3A : i32
      scf.if %cond3A_44 {
        %add3A_100 = arith.constant 1 : i32
        %add3A_101 = arith.addi %add3A_40, %add3A_100 : i32
        %dma_wait3A_102 = arith.constant 0 : i32
        %dma_wait3A_103 = arith.constant 0 : i32
        %dma_wait3A_104 = tpu.memref_slice %arg3[%add3A, %add3A_101, %dma_wait3A_102, %dma_wait3A_103] : memref<32x80x2x128xi32, #tpu.memory_space<hbm>> -> memref<1x1x2x128xi32, #tpu.memory_space<hbm>>
        %dma_wait3A_105 = tpu.memref_squeeze %dma_wait3A_104 : memref<1x1x2x128xi32, #tpu.memory_space<hbm>> -> memref<2x128xi32, #tpu.memory_space<hbm>>
        %dma_wait3A_106 = arith.constant 0 : i32
        %dma_wait3A_107 = arith.constant 0 : i32
        %dma_wait3A_108 = tpu.memref_slice %arg3[%add3A, %add3A_101, %dma_wait3A_106, %dma_wait3A_107] : memref<32x80x2x128xi32, #tpu.memory_space<hbm>> -> memref<1x1x2x128xi32, #tpu.memory_space<hbm>>
        %dma_wait3A_109 = tpu.memref_squeeze %dma_wait3A_108 : memref<1x1x2x128xi32, #tpu.memory_space<hbm>> -> memref<2x128xi32, #tpu.memory_space<hbm>>
        tpu.wait_dma2 semaphore(%arg17 : memref<!tpu.dma_semaphore, #tpu.memory_space<semaphore_mem>>) src(%dma_wait3A_109 : memref<2x128xi32, #tpu.memory_space<hbm>>) dst(%arg8 : memref<2x128xi32, #tpu.memory_space<vmem>>)
        %add3A_110 = arith.constant 1 : i32
        %add3A_111 = arith.addi %add3A_40, %add3A_110 : i32
        %dma_wait3A_112 = arith.constant 0 : i32
        %dma_wait3A_113 = tpu.memref_slice %arg4[%add3A, %add3A_111, %dma_wait3A_112] : memref<32x80x128xf32, #tpu.memory_space<hbm>> -> memref<1x1x128xf32, #tpu.memory_space<hbm>>
        %dma_wait3A_114 = tpu.memref_squeeze %dma_wait3A_113 : memref<1x1x128xf32, #tpu.memory_space<hbm>> -> memref<128xf32, #tpu.memory_space<hbm>>
        %dma_wait3A_115 = arith.constant 0 : i32
        %dma_wait3A_116 = tpu.memref_slice %arg4[%add3A, %add3A_111, %dma_wait3A_115] : memref<32x80x128xf32, #tpu.memory_space<hbm>> -> memref<1x1x128xf32, #tpu.memory_space<hbm>>
        %dma_wait3A_117 = tpu.memref_squeeze %dma_wait3A_116 : memref<1x1x128xf32, #tpu.memory_space<hbm>> -> memref<128xf32, #tpu.memory_space<hbm>>
        tpu.wait_dma2 semaphore(%arg19 : memref<!tpu.dma_semaphore, #tpu.memory_space<semaphore_mem>>) src(%dma_wait3A_117 : memref<128xf32, #tpu.memory_space<hbm>>) dst(%arg10 : memref<128xf32, #tpu.memory_space<vmem>>)
        %dma_start3A_118 = arith.constant 0 : i32
        %dma_start3A_119 = arith.constant 0 : i32
        %dma_start3A_120 = tpu.memref_slice %arg8[%dma_start3A_118, %dma_start3A_119] : memref<2x128xi32, #tpu.memory_space<vmem>> -> memref<1x128xi32, #tpu.memory_space<vmem>>
        %dma_start3A_121 = tpu.memref_squeeze %dma_start3A_120 : memref<1x128xi32, #tpu.memory_space<vmem>> -> memref<128xi32, #tpu.memory_space<vmem>>
        %dma_start3A_122 = arith.constant 0 : i32
        %dma_start3A_123 = arith.constant 0 : i32
        %dma_start3A_124 = tpu.memref_slice %arg2[%dma_start3A_122, %dma_start3A_123] : memref<10000x128xf32, #tpu.memory_space<hbm>> -> memref<10000x128xf32, #tpu.memory_space<hbm>>
        tpu.enqueue_indirect_dma source(%dma_start3A_124 : memref<10000x128xf32, #tpu.memory_space<hbm>>) target(%arg12 : memref<128x128xf32, #tpu.memory_space<vmem>>) offsets(%dma_start3A_121 : memref<128xi32, #tpu.memory_space<vmem>>) semaphore(%arg15 : memref<!tpu.dma_semaphore, #tpu.memory_space<semaphore_mem>>)
      } else {
      }
      %dma_wait3A = arith.constant 0 : i32
      %dma_wait3A_45 = arith.constant 0 : i32
      %dma_wait3A_46 = tpu.memref_slice %arg7[%dma_wait3A, %dma_wait3A_45] : memref<2x128xi32, #tpu.memory_space<vmem>> -> memref<1x128xi32, #tpu.memory_space<vmem>>
      %dma_wait3A_47 = tpu.memref_squeeze %dma_wait3A_46 : memref<1x128xi32, #tpu.memory_space<vmem>> -> memref<128xi32, #tpu.memory_space<vmem>>
      %dma_wait3A_48 = arith.constant 0 : i32
      %dma_wait3A_49 = arith.constant 0 : i32
      %dma_wait3A_50 = tpu.memref_slice %arg2[%dma_wait3A_48, %dma_wait3A_49] : memref<10000x128xf32, #tpu.memory_space<hbm>> -> memref<10000x128xf32, #tpu.memory_space<hbm>>
      tpu.wait_indirect_dma semaphore(%arg14 : memref<!tpu.dma_semaphore, #tpu.memory_space<semaphore_mem>>) src(%dma_wait3A_50 : memref<10000x128xf32, #tpu.memory_space<hbm>>) dst(%arg11 : memref<128x128xf32, #tpu.memory_space<vmem>>)
      %scan3A_51 = arith.constant 0 : i32
      %scan3A_52 = arith.constant 0 : i32
      %scan3A_53 = arith.constant 8 : i32
      %scan3A_54 = arith.addi %scan3A_52, %scan3A_53 : i32
      %scan3A_55 = arith.constant 1 : i32
      %scan3A_56 = scf.for %scan3A_100 = %scan3A_52 to %scan3A_54 step %scan3A_55 iter_args(%scan3A_101 = %scan3A_51) -> (i32)  : i32 {
        %mul3A_102 = arith.constant 16 : i32
        %mul3A_103 = arith.muli %scan3A_100, %mul3A_102 : i32
        %multiple_of3A = tpu.assume_multiple %mul3A_103, 16 : i32
        %get3A = arith.index_cast %multiple_of3A : i32 to index
        %get3A_104 = tpu.vector_load %arg9[%get3A] {strides = array<i32>} : memref<128xf32, #tpu.memory_space<vmem>>, vector<16xf32>,
        %scan3A_105 = arith.constant 0 : i32
        %scan3A_106 = arith.constant 0 : i32
        %scan3A_107 = arith.constant 16 : i32
        %scan3A_108 = arith.addi %scan3A_106, %scan3A_107 : i32
        %scan3A_109 = arith.constant 1 : i32
        %scan3A_110 = scf.for %scan3A_113 = %scan3A_106 to %scan3A_108 step %scan3A_109 iter_args(%scan3A_114 = %scan3A_105) -> (i32)  : i32 {
          %broadcast_in_dim3A = vector.broadcast %scan3A_113 : i32 to vector<16x1xi32>
          %gather3A = vector.shape_cast %broadcast_in_dim3A : vector<16x1xi32> to vector<16xi32>
          %gather3A_115 = tpu.dynamic_gather %get3A_104[%gather3A] in [0] : vector<16xf32>, vector<16xi32> -> vector<16xf32>
          %mul3A_116 = arith.constant 16 : i32
          %mul3A_117 = arith.muli %scan3A_100, %mul3A_116 : i32
          %add3A_118 = arith.addi %mul3A_117, %scan3A_113 : i32
          %get3A_119 = arith.index_cast %add3A_118 : i32 to index
          %get3A_120 = arith.constant 0 : index
          %get3A_121 = tpu.vector_load %arg11[%get3A_119, %get3A_120] {strides = array<i32>} : memref<128x128xf32, #tpu.memory_space<vmem>>, vector<16xf32>,
          %mul3A_122 = arith.mulf %get3A_121, %gather3A_115 : vector<16xf32>
          %swap3A = arith.index_cast %add3A_118 : i32 to index
          %swap3A_123 = arith.constant 0 : index
          %swap3A_124 = tpu.vector_load %arg11[%swap3A, %swap3A_123] {strides = array<i32>} : memref<128x128xf32, #tpu.memory_space<vmem>>, vector<16xf32>,
          tpu.vector_store %arg11[%swap3A, %swap3A_123], %mul3A_122 {strides = array<i32>} : memref<128x128xf32, #tpu.memory_space<vmem>>, vector<16xf32>,
          %get3A_125 = arith.index_cast %add3A_118 : i32 to index
          %get3A_126 = arith.constant 16 : index
          %get3A_127 = tpu.vector_load %arg11[%get3A_125, %get3A_126] {strides = array<i32>} : memref<128x128xf32, #tpu.memory_space<vmem>>, vector<16xf32>,
          %mul3A_128 = arith.mulf %get3A_127, %gather3A_115 : vector<16xf32>
          %swap3A_129 = arith.index_cast %add3A_118 : i32 to index
          %swap3A_130 = arith.constant 16 : index
          %swap3A_131 = tpu.vector_load %arg11[%swap3A_129, %swap3A_130] {strides = array<i32>} : memref<128x128xf32, #tpu.memory_space<vmem>>, vector<16xf32>,
          tpu.vector_store %arg11[%swap3A_129, %swap3A_130], %mul3A_128 {strides = array<i32>} : memref<128x128xf32, #tpu.memory_space<vmem>>, vector<16xf32>,
          %get3A_132 = arith.index_cast %add3A_118 : i32 to index
          %get3A_133 = arith.constant 32 : index
          %get3A_134 = tpu.vector_load %arg11[%get3A_132, %get3A_133] {strides = array<i32>} : memref<128x128xf32, #tpu.memory_space<vmem>>, vector<16xf32>,
          %mul3A_135 = arith.mulf %get3A_134, %gather3A_115 : vector<16xf32>
          %swap3A_136 = arith.index_cast %add3A_118 : i32 to index
          %swap3A_137 = arith.constant 32 : index
          %swap3A_138 = tpu.vector_load %arg11[%swap3A_136, %swap3A_137] {strides = array<i32>} : memref<128x128xf32, #tpu.memory_space<vmem>>, vector<16xf32>,
          tpu.vector_store %arg11[%swap3A_136, %swap3A_137], %mul3A_135 {strides = array<i32>} : memref<128x128xf32, #tpu.memory_space<vmem>>, vector<16xf32>,
          %get3A_139 = arith.index_cast %add3A_118 : i32 to index
          %get3A_140 = arith.constant 48 : index
          %get3A_141 = tpu.vector_load %arg11[%get3A_139, %get3A_140] {strides = array<i32>} : memref<128x128xf32, #tpu.memory_space<vmem>>, vector<16xf32>,
          %mul3A_142 = arith.mulf %get3A_141, %gather3A_115 : vector<16xf32>
          %swap3A_143 = arith.index_cast %add3A_118 : i32 to index
          %swap3A_144 = arith.constant 48 : index
          %swap3A_145 = tpu.vector_load %arg11[%swap3A_143, %swap3A_144] {strides = array<i32>} : memref<128x128xf32, #tpu.memory_space<vmem>>, vector<16xf32>,
          tpu.vector_store %arg11[%swap3A_143, %swap3A_144], %mul3A_142 {strides = array<i32>} : memref<128x128xf32, #tpu.memory_space<vmem>>, vector<16xf32>,
          %get3A_146 = arith.index_cast %add3A_118 : i32 to index
          %get3A_147 = arith.constant 64 : index
          %get3A_148 = tpu.vector_load %arg11[%get3A_146, %get3A_147] {strides = array<i32>} : memref<128x128xf32, #tpu.memory_space<vmem>>, vector<16xf32>,
          %mul3A_149 = arith.mulf %get3A_148, %gather3A_115 : vector<16xf32>
          %swap3A_150 = arith.index_cast %add3A_118 : i32 to index
          %swap3A_151 = arith.constant 64 : index
          %swap3A_152 = tpu.vector_load %arg11[%swap3A_150, %swap3A_151] {strides = array<i32>} : memref<128x128xf32, #tpu.memory_space<vmem>>, vector<16xf32>,
          tpu.vector_store %arg11[%swap3A_150, %swap3A_151], %mul3A_149 {strides = array<i32>} : memref<128x128xf32, #tpu.memory_space<vmem>>, vector<16xf32>,
          %get3A_153 = arith.index_cast %add3A_118 : i32 to index
          %get3A_154 = arith.constant 80 : index
          %get3A_155 = tpu.vector_load %arg11[%get3A_153, %get3A_154] {strides = array<i32>} : memref<128x128xf32, #tpu.memory_space<vmem>>, vector<16xf32>,
          %mul3A_156 = arith.mulf %get3A_155, %gather3A_115 : vector<16xf32>
          %swap3A_157 = arith.index_cast %add3A_118 : i32 to index
          %swap3A_158 = arith.constant 80 : index
          %swap3A_159 = tpu.vector_load %arg11[%swap3A_157, %swap3A_158] {strides = array<i32>} : memref<128x128xf32, #tpu.memory_space<vmem>>, vector<16xf32>,
          tpu.vector_store %arg11[%swap3A_157, %swap3A_158], %mul3A_156 {strides = array<i32>} : memref<128x128xf32, #tpu.memory_space<vmem>>, vector<16xf32>,
          %get3A_160 = arith.index_cast %add3A_118 : i32 to index
          %get3A_161 = arith.constant 96 : index
          %get3A_162 = tpu.vector_load %arg11[%get3A_160, %get3A_161] {strides = array<i32>} : memref<128x128xf32, #tpu.memory_space<vmem>>, vector<16xf32>,
          %mul3A_163 = arith.mulf %get3A_162, %gather3A_115 : vector<16xf32>
          %swap3A_164 = arith.index_cast %add3A_118 : i32 to index
          %swap3A_165 = arith.constant 96 : index
          %swap3A_166 = tpu.vector_load %arg11[%swap3A_164, %swap3A_165] {strides = array<i32>} : memref<128x128xf32, #tpu.memory_space<vmem>>, vector<16xf32>,
          tpu.vector_store %arg11[%swap3A_164, %swap3A_165], %mul3A_163 {strides = array<i32>} : memref<128x128xf32, #tpu.memory_space<vmem>>, vector<16xf32>,
          %get3A_167 = arith.index_cast %add3A_118 : i32 to index
          %get3A_168 = arith.constant 112 : index
          %get3A_169 = tpu.vector_load %arg11[%get3A_167, %get3A_168] {strides = array<i32>} : memref<128x128xf32, #tpu.memory_space<vmem>>, vector<16xf32>,
          %mul3A_170 = arith.mulf %get3A_169, %gather3A_115 : vector<16xf32>
          %swap3A_171 = arith.index_cast %add3A_118 : i32 to index
          %swap3A_172 = arith.constant 112 : index
          %swap3A_173 = tpu.vector_load %arg11[%swap3A_171, %swap3A_172] {strides = array<i32>} : memref<128x128xf32, #tpu.memory_space<vmem>>, vector<16xf32>,
          tpu.vector_store %arg11[%swap3A_171, %swap3A_172], %mul3A_170 {strides = array<i32>} : memref<128x128xf32, #tpu.memory_space<vmem>>, vector<16xf32>,
          %scan3A_174 = arith.constant 0 : i32
          scf.yield %scan3A_174 : i32
        }
        %scan3A_111 = arith.constant 16 : i32
        %scan3A_112 = arith.constant 0 : i32
        scf.yield %scan3A_112 : i32
      }
      %scan3A_57 = arith.constant 8 : i32
      %run_scoped3A_58 = arith.constant 1 : i32
      "tpu.region"() ({
        %run_scoped3A_100 = tpu.sem_alloc : memref<!tpu.dma_semaphore, #tpu.memory_space<semaphore_mem>>
        %dma_start3A_101 = arith.constant 0 : i32
        %dma_start3A_102 = tpu.memref_slice %arg7[%run_scoped3A_58, %dma_start3A_101] : memref<2x128xi32, #tpu.memory_space<vmem>> -> memref<1x128xi32, #tpu.memory_space<vmem>>
        %dma_start3A_103 = tpu.memref_squeeze %dma_start3A_102 : memref<1x128xi32, #tpu.memory_space<vmem>> -> memref<128xi32, #tpu.memory_space<vmem>>
        %dma_start3A_104 = arith.constant 0 : i32
        %dma_start3A_105 = arith.constant 0 : i32
        %dma_start3A_106 = tpu.memref_slice %arg13[%dma_start3A_104, %dma_start3A_105] : memref<10000x128xf32, #tpu.memory_space<vmem_shared>> -> memref<10000x128xf32, #tpu.memory_space<vmem_shared>>
        tpu.enqueue_indirect_dma source(%arg11 : memref<128x128xf32, #tpu.memory_space<vmem>>) target(%dma_start3A_106 : memref<10000x128xf32, #tpu.memory_space<vmem_shared>>) offsets(%dma_start3A_103 : memref<128xi32, #tpu.memory_space<vmem>>) semaphore(%run_scoped3A_100 : memref<!tpu.dma_semaphore, #tpu.memory_space<semaphore_mem>>) {add = true}
        %dma_wait3A_107 = arith.constant 0 : i32
        %dma_wait3A_108 = tpu.memref_slice %arg7[%run_scoped3A_58, %dma_wait3A_107] : memref<2x128xi32, #tpu.memory_space<vmem>> -> memref<1x128xi32, #tpu.memory_space<vmem>>
        %dma_wait3A_109 = tpu.memref_squeeze %dma_wait3A_108 : memref<1x128xi32, #tpu.memory_space<vmem>> -> memref<128xi32, #tpu.memory_space<vmem>>
        %dma_wait3A_110 = arith.constant 0 : i32
        %dma_wait3A_111 = arith.constant 0 : i32
        %dma_wait3A_112 = tpu.memref_slice %arg13[%dma_wait3A_110, %dma_wait3A_111] : memref<10000x128xf32, #tpu.memory_space<vmem_shared>> -> memref<10000x128xf32, #tpu.memory_space<vmem_shared>>
        tpu.wait_indirect_dma semaphore(%run_scoped3A_100 : memref<!tpu.dma_semaphore, #tpu.memory_space<semaphore_mem>>) src(%arg11 : memref<128x128xf32, #tpu.memory_space<vmem>>) dst(%dma_wait3A_112 : memref<10000x128xf32, #tpu.memory_space<vmem_shared>>)
        tpu.yield
      }) : () -> ()
      %add3A_59 = arith.constant 2 : i32
      %add3A_60 = arith.addi %add3A_40, %add3A_59 : i32
      %lt3A_61 = arith.constant 80 : i32
      %lt3A_62 = arith.cmpi slt, %add3A_60, %lt3A_61 : i32
      %convert_element_type3A_63 = arith.extui %lt3A_62 : i1 to i32
      %cond3A_64 = arith.constant 0 : i32
      %cond3A_65 = arith.cmpi ne, %convert_element_type3A_63, %cond3A_64 : i32
      scf.if %cond3A_65 {
        %add3A_100 = arith.constant 2 : i32
        %add3A_101 = arith.addi %add3A_40, %add3A_100 : i32
        %dma_start3A_102 = arith.constant 0 : i32
        %dma_start3A_103 = arith.constant 0 : i32
        %dma_start3A_104 = tpu.memref_slice %arg3[%add3A, %add3A_101, %dma_start3A_102, %dma_start3A_103] : memref<32x80x2x128xi32, #tpu.memory_space<hbm>> -> memref<1x1x2x128xi32, #tpu.memory_space<hbm>>
        %dma_start3A_105 = tpu.memref_squeeze %dma_start3A_104 : memref<1x1x2x128xi32, #tpu.memory_space<hbm>> -> memref<2x128xi32, #tpu.memory_space<hbm>>
        %dma_start3A_106 = arith.constant 0 : i32
        %dma_start3A_107 = arith.constant 0 : i32
        %dma_start3A_108 = tpu.memref_slice %arg3[%add3A, %add3A_101, %dma_start3A_106, %dma_start3A_107] : memref<32x80x2x128xi32, #tpu.memory_space<hbm>> -> memref<1x1x2x128xi32, #tpu.memory_space<hbm>>
        %dma_start3A_109 = tpu.memref_squeeze %dma_start3A_108 : memref<1x1x2x128xi32, #tpu.memory_space<hbm>> -> memref<2x128xi32, #tpu.memory_space<hbm>>
        tpu.enqueue_dma source(%dma_start3A_109 : memref<2x128xi32, #tpu.memory_space<hbm>>) target(%arg7 : memref<2x128xi32, #tpu.memory_space<vmem>>) target_semaphore(%arg16 : memref<!tpu.dma_semaphore, #tpu.memory_space<semaphore_mem>>)
        %add3A_110 = arith.constant 2 : i32
        %add3A_111 = arith.addi %add3A_40, %add3A_110 : i32
        %dma_start3A_112 = arith.constant 0 : i32
        %dma_start3A_113 = tpu.memref_slice %arg4[%add3A, %add3A_111, %dma_start3A_112] : memref<32x80x128xf32, #tpu.memory_space<hbm>> -> memref<1x1x128xf32, #tpu.memory_space<hbm>>
        %dma_start3A_114 = tpu.memref_squeeze %dma_start3A_113 : memref<1x1x128xf32, #tpu.memory_space<hbm>> -> memref<128xf32, #tpu.memory_space<hbm>>
        %dma_start3A_115 = arith.constant 0 : i32
        %dma_start3A_116 = tpu.memref_slice %arg4[%add3A, %add3A_111, %dma_start3A_115] : memref<32x80x128xf32, #tpu.memory_space<hbm>> -> memref<1x1x128xf32, #tpu.memory_space<hbm>>
        %dma_start3A_117 = tpu.memref_squeeze %dma_start3A_116 : memref<1x1x128xf32, #tpu.memory_space<hbm>> -> memref<128xf32, #tpu.memory_space<hbm>>
        tpu.enqueue_dma source(%dma_start3A_117 : memref<128xf32, #tpu.memory_space<hbm>>) target(%arg9 : memref<128xf32, #tpu.memory_space<vmem>>) target_semaphore(%arg18 : memref<!tpu.dma_semaphore, #tpu.memory_space<semaphore_mem>>)
      } else {
      }
      %mul3A_66 = arith.constant 2 : i32
      %mul3A_67 = arith.muli %mul3A_66, %scan3A_35 : i32
      %add3A_68 = arith.constant 1 : i32
      %add3A_69 = arith.addi %mul3A_67, %add3A_68 : i32
      %add3A_70 = arith.constant 1 : i32
      %add3A_71 = arith.addi %add3A_69, %add3A_70 : i32
      %lt3A_72 = arith.constant 80 : i32
      %lt3A_73 = arith.cmpi slt, %add3A_71, %lt3A_72 : i32
      %convert_element_type3A_74 = arith.extui %lt3A_73 : i1 to i32
      %cond3A_75 = arith.constant 0 : i32
      %cond3A_76 = arith.cmpi ne, %convert_element_type3A_74, %cond3A_75 : i32
      scf.if %cond3A_76 {
        %add3A_100 = arith.constant 1 : i32
        %add3A_101 = arith.addi %add3A_69, %add3A_100 : i32
        %dma_wait3A_102 = arith.constant 0 : i32
        %dma_wait3A_103 = arith.constant 0 : i32
        %dma_wait3A_104 = tpu.memref_slice %arg3[%add3A, %add3A_101, %dma_wait3A_102, %dma_wait3A_103] : memref<32x80x2x128xi32, #tpu.memory_space<hbm>> -> memref<1x1x2x128xi32, #tpu.memory_space<hbm>>
        %dma_wait3A_105 = tpu.memref_squeeze %dma_wait3A_104 : memref<1x1x2x128xi32, #tpu.memory_space<hbm>> -> memref<2x128xi32, #tpu.memory_space<hbm>>
        %dma_wait3A_106 = arith.constant 0 : i32
        %dma_wait3A_107 = arith.constant 0 : i32
        %dma_wait3A_108 = tpu.memref_slice %arg3[%add3A, %add3A_101, %dma_wait3A_106, %dma_wait3A_107] : memref<32x80x2x128xi32, #tpu.memory_space<hbm>> -> memref<1x1x2x128xi32, #tpu.memory_space<hbm>>
        %dma_wait3A_109 = tpu.memref_squeeze %dma_wait3A_108 : memref<1x1x2x128xi32, #tpu.memory_space<hbm>> -> memref<2x128xi32, #tpu.memory_space<hbm>>
        tpu.wait_dma2 semaphore(%arg16 : memref<!tpu.dma_semaphore, #tpu.memory_space<semaphore_mem>>) src(%dma_wait3A_109 : memref<2x128xi32, #tpu.memory_space<hbm>>) dst(%arg7 : memref<2x128xi32, #tpu.memory_space<vmem>>)
        %add3A_110 = arith.constant 1 : i32
        %add3A_111 = arith.addi %add3A_69, %add3A_110 : i32
        %dma_wait3A_112 = arith.constant 0 : i32
        %dma_wait3A_113 = tpu.memref_slice %arg4[%add3A, %add3A_111, %dma_wait3A_112] : memref<32x80x128xf32, #tpu.memory_space<hbm>> -> memref<1x1x128xf32, #tpu.memory_space<hbm>>
        %dma_wait3A_114 = tpu.memref_squeeze %dma_wait3A_113 : memref<1x1x128xf32, #tpu.memory_space<hbm>> -> memref<128xf32, #tpu.memory_space<hbm>>
        %dma_wait3A_115 = arith.constant 0 : i32
        %dma_wait3A_116 = tpu.memref_slice %arg4[%add3A, %add3A_111, %dma_wait3A_115] : memref<32x80x128xf32, #tpu.memory_space<hbm>> -> memref<1x1x128xf32, #tpu.memory_space<hbm>>
        %dma_wait3A_117 = tpu.memref_squeeze %dma_wait3A_116 : memref<1x1x128xf32, #tpu.memory_space<hbm>> -> memref<128xf32, #tpu.memory_space<hbm>>
        tpu.wait_dma2 semaphore(%arg18 : memref<!tpu.dma_semaphore, #tpu.memory_space<semaphore_mem>>) src(%dma_wait3A_117 : memref<128xf32, #tpu.memory_space<hbm>>) dst(%arg9 : memref<128xf32, #tpu.memory_space<vmem>>)
        %dma_start3A_118 = arith.constant 0 : i32
        %dma_start3A_119 = arith.constant 0 : i32
        %dma_start3A_120 = tpu.memref_slice %arg7[%dma_start3A_118, %dma_start3A_119] : memref<2x128xi32, #tpu.memory_space<vmem>> -> memref<1x128xi32, #tpu.memory_space<vmem>>
        %dma_start3A_121 = tpu.memref_squeeze %dma_start3A_120 : memref<1x128xi32, #tpu.memory_space<vmem>> -> memref<128xi32, #tpu.memory_space<vmem>>
        %dma_start3A_122 = arith.constant 0 : i32
        %dma_start3A_123 = arith.constant 0 : i32
        %dma_start3A_124 = tpu.memref_slice %arg2[%dma_start3A_122, %dma_start3A_123] : memref<10000x128xf32, #tpu.memory_space<hbm>> -> memref<10000x128xf32, #tpu.memory_space<hbm>>
        tpu.enqueue_indirect_dma source(%dma_start3A_124 : memref<10000x128xf32, #tpu.memory_space<hbm>>) target(%arg11 : memref<128x128xf32, #tpu.memory_space<vmem>>) offsets(%dma_start3A_121 : memref<128xi32, #tpu.memory_space<vmem>>) semaphore(%arg14 : memref<!tpu.dma_semaphore, #tpu.memory_space<semaphore_mem>>)
      } else {
      }
      %dma_wait3A_77 = arith.constant 0 : i32
      %dma_wait3A_78 = arith.constant 0 : i32
      %dma_wait3A_79 = tpu.memref_slice %arg8[%dma_wait3A_77, %dma_wait3A_78] : memref<2x128xi32, #tpu.memory_space<vmem>> -> memref<1x128xi32, #tpu.memory_space<vmem>>
      %dma_wait3A_80 = tpu.memref_squeeze %dma_wait3A_79 : memref<1x128xi32, #tpu.memory_space<vmem>> -> memref<128xi32, #tpu.memory_space<vmem>>
      %dma_wait3A_81 = arith.constant 0 : i32
      %dma_wait3A_82 = arith.constant 0 : i32
      %dma_wait3A_83 = tpu.memref_slice %arg2[%dma_wait3A_81, %dma_wait3A_82] : memref<10000x128xf32, #tpu.memory_space<hbm>> -> memref<10000x128xf32, #tpu.memory_space<hbm>>
      tpu.wait_indirect_dma semaphore(%arg15 : memref<!tpu.dma_semaphore, #tpu.memory_space<semaphore_mem>>) src(%dma_wait3A_83 : memref<10000x128xf32, #tpu.memory_space<hbm>>) dst(%arg12 : memref<128x128xf32, #tpu.memory_space<vmem>>)
      %scan3A_84 = arith.constant 0 : i32
      %scan3A_85 = arith.constant 0 : i32
      %scan3A_86 = arith.constant 8 : i32
      %scan3A_87 = arith.addi %scan3A_85, %scan3A_86 : i32
      %scan3A_88 = arith.constant 1 : i32
      %scan3A_89 = scf.for %scan3A_100 = %scan3A_85 to %scan3A_87 step %scan3A_88 iter_args(%scan3A_101 = %scan3A_84) -> (i32)  : i32 {
        %mul3A_102 = arith.constant 16 : i32
        %mul3A_103 = arith.muli %scan3A_100, %mul3A_102 : i32
        %multiple_of3A = tpu.assume_multiple %mul3A_103, 16 : i32
        %get3A = arith.index_cast %multiple_of3A : i32 to index
        %get3A_104 = tpu.vector_load %arg10[%get3A] {strides = array<i32>} : memref<128xf32, #tpu.memory_space<vmem>>, vector<16xf32>,
        %scan3A_105 = arith.constant 0 : i32
        %scan3A_106 = arith.constant 0 : i32
        %scan3A_107 = arith.constant 16 : i32
        %scan3A_108 = arith.addi %scan3A_106, %scan3A_107 : i32
        %scan3A_109 = arith.constant 1 : i32
        %scan3A_110 = scf.for %scan3A_113 = %scan3A_106 to %scan3A_108 step %scan3A_109 iter_args(%scan3A_114 = %scan3A_105) -> (i32)  : i32 {
          %broadcast_in_dim3A = vector.broadcast %scan3A_113 : i32 to vector<16x1xi32>
          %gather3A = vector.shape_cast %broadcast_in_dim3A : vector<16x1xi32> to vector<16xi32>
          %gather3A_115 = tpu.dynamic_gather %get3A_104[%gather3A] in [0] : vector<16xf32>, vector<16xi32> -> vector<16xf32>
          %mul3A_116 = arith.constant 16 : i32
          %mul3A_117 = arith.muli %scan3A_100, %mul3A_116 : i32
          %add3A_118 = arith.addi %mul3A_117, %scan3A_113 : i32
          %get3A_119 = arith.index_cast %add3A_118 : i32 to index
          %get3A_120 = arith.constant 0 : index
          %get3A_121 = tpu.vector_load %arg12[%get3A_119, %get3A_120] {strides = array<i32>} : memref<128x128xf32, #tpu.memory_space<vmem>>, vector<16xf32>,
          %mul3A_122 = arith.mulf %get3A_121, %gather3A_115 : vector<16xf32>
          %swap3A = arith.index_cast %add3A_118 : i32 to index
          %swap3A_123 = arith.constant 0 : index
          %swap3A_124 = tpu.vector_load %arg12[%swap3A, %swap3A_123] {strides = array<i32>} : memref<128x128xf32, #tpu.memory_space<vmem>>, vector<16xf32>,
          tpu.vector_store %arg12[%swap3A, %swap3A_123], %mul3A_122 {strides = array<i32>} : memref<128x128xf32, #tpu.memory_space<vmem>>, vector<16xf32>,
          %get3A_125 = arith.index_cast %add3A_118 : i32 to index
          %get3A_126 = arith.constant 16 : index
          %get3A_127 = tpu.vector_load %arg12[%get3A_125, %get3A_126] {strides = array<i32>} : memref<128x128xf32, #tpu.memory_space<vmem>>, vector<16xf32>,
          %mul3A_128 = arith.mulf %get3A_127, %gather3A_115 : vector<16xf32>
          %swap3A_129 = arith.index_cast %add3A_118 : i32 to index
          %swap3A_130 = arith.constant 16 : index
          %swap3A_131 = tpu.vector_load %arg12[%swap3A_129, %swap3A_130] {strides = array<i32>} : memref<128x128xf32, #tpu.memory_space<vmem>>, vector<16xf32>,
          tpu.vector_store %arg12[%swap3A_129, %swap3A_130], %mul3A_128 {strides = array<i32>} : memref<128x128xf32, #tpu.memory_space<vmem>>, vector<16xf32>,
          %get3A_132 = arith.index_cast %add3A_118 : i32 to index
          %get3A_133 = arith.constant 32 : index
          %get3A_134 = tpu.vector_load %arg12[%get3A_132, %get3A_133] {strides = array<i32>} : memref<128x128xf32, #tpu.memory_space<vmem>>, vector<16xf32>,
          %mul3A_135 = arith.mulf %get3A_134, %gather3A_115 : vector<16xf32>
          %swap3A_136 = arith.index_cast %add3A_118 : i32 to index
          %swap3A_137 = arith.constant 32 : index
          %swap3A_138 = tpu.vector_load %arg12[%swap3A_136, %swap3A_137] {strides = array<i32>} : memref<128x128xf32, #tpu.memory_space<vmem>>, vector<16xf32>,
          tpu.vector_store %arg12[%swap3A_136, %swap3A_137], %mul3A_135 {strides = array<i32>} : memref<128x128xf32, #tpu.memory_space<vmem>>, vector<16xf32>,
          %get3A_139 = arith.index_cast %add3A_118 : i32 to index
          %get3A_140 = arith.constant 48 : index
          %get3A_141 = tpu.vector_load %arg12[%get3A_139, %get3A_140] {strides = array<i32>} : memref<128x128xf32, #tpu.memory_space<vmem>>, vector<16xf32>,
          %mul3A_142 = arith.mulf %get3A_141, %gather3A_115 : vector<16xf32>
          %swap3A_143 = arith.index_cast %add3A_118 : i32 to index
          %swap3A_144 = arith.constant 48 : index
          %swap3A_145 = tpu.vector_load %arg12[%swap3A_143, %swap3A_144] {strides = array<i32>} : memref<128x128xf32, #tpu.memory_space<vmem>>, vector<16xf32>,
          tpu.vector_store %arg12[%swap3A_143, %swap3A_144], %mul3A_142 {strides = array<i32>} : memref<128x128xf32, #tpu.memory_space<vmem>>, vector<16xf32>,
          %get3A_146 = arith.index_cast %add3A_118 : i32 to index
          %get3A_147 = arith.constant 64 : index
          %get3A_148 = tpu.vector_load %arg12[%get3A_146, %get3A_147] {strides = array<i32>} : memref<128x128xf32, #tpu.memory_space<vmem>>, vector<16xf32>,
          %mul3A_149 = arith.mulf %get3A_148, %gather3A_115 : vector<16xf32>
          %swap3A_150 = arith.index_cast %add3A_118 : i32 to index
          %swap3A_151 = arith.constant 64 : index
          %swap3A_152 = tpu.vector_load %arg12[%swap3A_150, %swap3A_151] {strides = array<i32>} : memref<128x128xf32, #tpu.memory_space<vmem>>, vector<16xf32>,
          tpu.vector_store %arg12[%swap3A_150, %swap3A_151], %mul3A_149 {strides = array<i32>} : memref<128x128xf32, #tpu.memory_space<vmem>>, vector<16xf32>,
          %get3A_153 = arith.index_cast %add3A_118 : i32 to index
          %get3A_154 = arith.constant 80 : index
          %get3A_155 = tpu.vector_load %arg12[%get3A_153, %get3A_154] {strides = array<i32>} : memref<128x128xf32, #tpu.memory_space<vmem>>, vector<16xf32>,
          %mul3A_156 = arith.mulf %get3A_155, %gather3A_115 : vector<16xf32>
          %swap3A_157 = arith.index_cast %add3A_118 : i32 to index
          %swap3A_158 = arith.constant 80 : index
          %swap3A_159 = tpu.vector_load %arg12[%swap3A_157, %swap3A_158] {strides = array<i32>} : memref<128x128xf32, #tpu.memory_space<vmem>>, vector<16xf32>,
          tpu.vector_store %arg12[%swap3A_157, %swap3A_158], %mul3A_156 {strides = array<i32>} : memref<128x128xf32, #tpu.memory_space<vmem>>, vector<16xf32>,
          %get3A_160 = arith.index_cast %add3A_118 : i32 to index
          %get3A_161 = arith.constant 96 : index
          %get3A_162 = tpu.vector_load %arg12[%get3A_160, %get3A_161] {strides = array<i32>} : memref<128x128xf32, #tpu.memory_space<vmem>>, vector<16xf32>,
          %mul3A_163 = arith.mulf %get3A_162, %gather3A_115 : vector<16xf32>
          %swap3A_164 = arith.index_cast %add3A_118 : i32 to index
          %swap3A_165 = arith.constant 96 : index
          %swap3A_166 = tpu.vector_load %arg12[%swap3A_164, %swap3A_165] {strides = array<i32>} : memref<128x128xf32, #tpu.memory_space<vmem>>, vector<16xf32>,
          tpu.vector_store %arg12[%swap3A_164, %swap3A_165], %mul3A_163 {strides = array<i32>} : memref<128x128xf32, #tpu.memory_space<vmem>>, vector<16xf32>,
          %get3A_167 = arith.index_cast %add3A_118 : i32 to index
          %get3A_168 = arith.constant 112 : index
          %get3A_169 = tpu.vector_load %arg12[%get3A_167, %get3A_168] {strides = array<i32>} : memref<128x128xf32, #tpu.memory_space<vmem>>, vector<16xf32>,
          %mul3A_170 = arith.mulf %get3A_169, %gather3A_115 : vector<16xf32>
          %swap3A_171 = arith.index_cast %add3A_118 : i32 to index
          %swap3A_172 = arith.constant 112 : index
          %swap3A_173 = tpu.vector_load %arg12[%swap3A_171, %swap3A_172] {strides = array<i32>} : memref<128x128xf32, #tpu.memory_space<vmem>>, vector<16xf32>,
          tpu.vector_store %arg12[%swap3A_171, %swap3A_172], %mul3A_170 {strides = array<i32>} : memref<128x128xf32, #tpu.memory_space<vmem>>, vector<16xf32>,
          %scan3A_174 = arith.constant 0 : i32
          scf.yield %scan3A_174 : i32
        }
        %scan3A_111 = arith.constant 16 : i32
        %scan3A_112 = arith.constant 0 : i32
        scf.yield %scan3A_112 : i32
      }
      %scan3A_90 = arith.constant 8 : i32
      %run_scoped3A_91 = arith.constant 1 : i32
      "tpu.region"() ({
        %run_scoped3A_100 = tpu.sem_alloc : memref<!tpu.dma_semaphore, #tpu.memory_space<semaphore_mem>>
        %dma_start3A_101 = arith.constant 0 : i32
        %dma_start3A_102 = tpu.memref_slice %arg8[%run_scoped3A_91, %dma_start3A_101] : memref<2x128xi32, #tpu.memory_space<vmem>> -> memref<1x128xi32, #tpu.memory_space<vmem>>
        %dma_start3A_103 = tpu.memref_squeeze %dma_start3A_102 : memref<1x128xi32, #tpu.memory_space<vmem>> -> memref<128xi32, #tpu.memory_space<vmem>>
        %dma_start3A_104 = arith.constant 0 : i32
        %dma_start3A_105 = arith.constant 0 : i32
        %dma_start3A_106 = tpu.memref_slice %arg13[%dma_start3A_104, %dma_start3A_105] : memref<10000x128xf32, #tpu.memory_space<vmem_shared>> -> memref<10000x128xf32, #tpu.memory_space<vmem_shared>>
        tpu.enqueue_indirect_dma source(%arg12 : memref<128x128xf32, #tpu.memory_space<vmem>>) target(%dma_start3A_106 : memref<10000x128xf32, #tpu.memory_space<vmem_shared>>) offsets(%dma_start3A_103 : memref<128xi32, #tpu.memory_space<vmem>>) semaphore(%run_scoped3A_100 : memref<!tpu.dma_semaphore, #tpu.memory_space<semaphore_mem>>) {add = true}
        %dma_wait3A_107 = arith.constant 0 : i32
        %dma_wait3A_108 = tpu.memref_slice %arg8[%run_scoped3A_91, %dma_wait3A_107] : memref<2x128xi32, #tpu.memory_space<vmem>> -> memref<1x128xi32, #tpu.memory_space<vmem>>
        %dma_wait3A_109 = tpu.memref_squeeze %dma_wait3A_108 : memref<1x128xi32, #tpu.memory_space<vmem>> -> memref<128xi32, #tpu.memory_space<vmem>>
        %dma_wait3A_110 = arith.constant 0 : i32
        %dma_wait3A_111 = arith.constant 0 : i32
        %dma_wait3A_112 = tpu.memref_slice %arg13[%dma_wait3A_110, %dma_wait3A_111] : memref<10000x128xf32, #tpu.memory_space<vmem_shared>> -> memref<10000x128xf32, #tpu.memory_space<vmem_shared>>
        tpu.wait_indirect_dma semaphore(%run_scoped3A_100 : memref<!tpu.dma_semaphore, #tpu.memory_space<semaphore_mem>>) src(%arg12 : memref<128x128xf32, #tpu.memory_space<vmem>>) dst(%dma_wait3A_112 : memref<10000x128xf32, #tpu.memory_space<vmem_shared>>)
        tpu.yield
      }) : () -> ()
      %add3A_92 = arith.constant 2 : i32
      %add3A_93 = arith.addi %add3A_69, %add3A_92 : i32
      %lt3A_94 = arith.constant 80 : i32
      %lt3A_95 = arith.cmpi slt, %add3A_93, %lt3A_94 : i32
      %convert_element_type3A_96 = arith.extui %lt3A_95 : i1 to i32
      %cond3A_97 = arith.constant 0 : i32
      %cond3A_98 = arith.cmpi ne, %convert_element_type3A_96, %cond3A_97 : i32
      scf.if %cond3A_98 {
        %add3A_100 = arith.constant 2 : i32
        %add3A_101 = arith.addi %add3A_69, %add3A_100 : i32
        %dma_start3A_102 = arith.constant 0 : i32
        %dma_start3A_103 = arith.constant 0 : i32
        %dma_start3A_104 = tpu.memref_slice %arg3[%add3A, %add3A_101, %dma_start3A_102, %dma_start3A_103] : memref<32x80x2x128xi32, #tpu.memory_space<hbm>> -> memref<1x1x2x128xi32, #tpu.memory_space<hbm>>
        %dma_start3A_105 = tpu.memref_squeeze %dma_start3A_104 : memref<1x1x2x128xi32, #tpu.memory_space<hbm>> -> memref<2x128xi32, #tpu.memory_space<hbm>>
        %dma_start3A_106 = arith.constant 0 : i32
        %dma_start3A_107 = arith.constant 0 : i32
        %dma_start3A_108 = tpu.memref_slice %arg3[%add3A, %add3A_101, %dma_start3A_106, %dma_start3A_107] : memref<32x80x2x128xi32, #tpu.memory_space<hbm>> -> memref<1x1x2x128xi32, #tpu.memory_space<hbm>>
        %dma_start3A_109 = tpu.memref_squeeze %dma_start3A_108 : memref<1x1x2x128xi32, #tpu.memory_space<hbm>> -> memref<2x128xi32, #tpu.memory_space<hbm>>
        tpu.enqueue_dma source(%dma_start3A_109 : memref<2x128xi32, #tpu.memory_space<hbm>>) target(%arg8 : memref<2x128xi32, #tpu.memory_space<vmem>>) target_semaphore(%arg17 : memref<!tpu.dma_semaphore, #tpu.memory_space<semaphore_mem>>)
        %add3A_110 = arith.constant 2 : i32
        %add3A_111 = arith.addi %add3A_69, %add3A_110 : i32
        %dma_start3A_112 = arith.constant 0 : i32
        %dma_start3A_113 = tpu.memref_slice %arg4[%add3A, %add3A_111, %dma_start3A_112] : memref<32x80x128xf32, #tpu.memory_space<hbm>> -> memref<1x1x128xf32, #tpu.memory_space<hbm>>
        %dma_start3A_114 = tpu.memref_squeeze %dma_start3A_113 : memref<1x1x128xf32, #tpu.memory_space<hbm>> -> memref<128xf32, #tpu.memory_space<hbm>>
        %dma_start3A_115 = arith.constant 0 : i32
        %dma_start3A_116 = tpu.memref_slice %arg4[%add3A, %add3A_111, %dma_start3A_115] : memref<32x80x128xf32, #tpu.memory_space<hbm>> -> memref<1x1x128xf32, #tpu.memory_space<hbm>>
        %dma_start3A_117 = tpu.memref_squeeze %dma_start3A_116 : memref<1x1x128xf32, #tpu.memory_space<hbm>> -> memref<128xf32, #tpu.memory_space<hbm>>
        tpu.enqueue_dma source(%dma_start3A_117 : memref<128xf32, #tpu.memory_space<hbm>>) target(%arg10 : memref<128xf32, #tpu.memory_space<vmem>>) target_semaphore(%arg19 : memref<!tpu.dma_semaphore, #tpu.memory_space<semaphore_mem>>)
      } else {
      }
      %scan3A_99 = arith.constant 0 : i32
      scf.yield %scan3A_99 : i32
    }
    %scan3A_31 = arith.constant 40 : i32
    %barrier3A_32 = arith.constant 0 : index
    tpu.barrier barrier_id(%barrier3A_32)
    %mul3A_33 = arith.constant 625 : i32
    %mul3A_34 = arith.muli %arg1, %mul3A_33 : i32
    "tpu.region"() ({
      %run_scoped3A_35 = tpu.sem_alloc : memref<!tpu.dma_semaphore, #tpu.memory_space<semaphore_mem>>
      %dma_start3A_36 = arith.constant 0 : i32
      %dma_start3A_37 = arith.constant 0 : i32
      %dma_start3A_38 = tpu.memref_slice %arg6[%arg0, %arg1, %dma_start3A_36, %dma_start3A_37] : memref<2x16x625x128xf32, #tpu.memory_space<hbm>> -> memref<1x1x625x128xf32, #tpu.memory_space<hbm>>
      %dma_start3A_39 = tpu.memref_squeeze %dma_start3A_38 : memref<1x1x625x128xf32, #tpu.memory_space<hbm>> -> memref<625x128xf32, #tpu.memory_space<hbm>>
      %dma_start3A_40 = arith.constant 0 : i32
      %dma_start3A_41 = tpu.memref_slice %arg13[%mul3A_34, %dma_start3A_40] : memref<10000x128xf32, #tpu.memory_space<vmem_shared>> -> memref<625x128xf32, #tpu.memory_space<vmem_shared>>
      tpu.enqueue_dma source(%dma_start3A_41 : memref<625x128xf32, #tpu.memory_space<vmem_shared>>) target(%dma_start3A_39 : memref<625x128xf32, #tpu.memory_space<hbm>>) target_semaphore(%run_scoped3A_35 : memref<!tpu.dma_semaphore, #tpu.memory_space<semaphore_mem>>)
      %dma_wait3A = arith.constant 0 : i32
      %dma_wait3A_42 = arith.constant 0 : i32
      %dma_wait3A_43 = tpu.memref_slice %arg6[%arg0, %arg1, %dma_wait3A, %dma_wait3A_42] : memref<2x16x625x128xf32, #tpu.memory_space<hbm>> -> memref<1x1x625x128xf32, #tpu.memory_space<hbm>>
      %dma_wait3A_44 = tpu.memref_squeeze %dma_wait3A_43 : memref<1x1x625x128xf32, #tpu.memory_space<hbm>> -> memref<625x128xf32, #tpu.memory_space<hbm>>
      %dma_wait3A_45 = arith.constant 0 : i32
      %dma_wait3A_46 = tpu.memref_slice %arg13[%mul3A_34, %dma_wait3A_45] : memref<10000x128xf32, #tpu.memory_space<vmem_shared>> -> memref<625x128xf32, #tpu.memory_space<vmem_shared>>
      tpu.wait_dma2 semaphore(%run_scoped3A_35 : memref<!tpu.dma_semaphore, #tpu.memory_space<semaphore_mem>>) src(%dma_wait3A_46 : memref<625x128xf32, #tpu.memory_space<vmem_shared>>) dst(%dma_wait3A_44 : memref<625x128xf32, #tpu.memory_space<hbm>>)
      tpu.yield
    }) : () -> ()
    return
  }
}

#map = affine_map<(d0, d1) -> (0)>
#map1 = affine_map<(d0, d1) -> (0, 0)>
module attributes {stable_mosaic.version = 14 : i64} {
  func.func @_hist_body(%arg0: i32, %arg1: i32, %arg2: memref<320000xi32, #tpu.memory_space<hbm>>, %arg3: memref<32x10000xf32, #tpu.memory_space<hbm>>, %arg4: memref<2000xi32, #tpu.memory_space<vmem>>, %arg5: memref<10000xf32, #tpu.memory_space<vmem>>, %arg6: memref<!tpu.dma_semaphore, #tpu.memory_space<semaphore_mem>>) attributes {dimension_semantics = [#tpu.dimension_semantics<core_parallel>, #tpu.dimension_semantics<subcore_parallel>], iteration_bounds = array<i64: 2, 16>, scalar_prefetch = 0 : i64, scratch_operands = 3 : i64, tpu.core_type = #tpu.core_type<sc_vector_subcore>, window_params = [{transform_indices = #map}, {transform_indices = #map1}]} {
    %mul3A = arith.constant 2 : i32
    %mul3A_0 = arith.muli %arg1, %mul3A : i32
    %add3A = arith.addi %mul3A_0, %arg0 : i32
    %broadcast_in_dim3A = arith.constant 0.000000e+00 : f32
    %broadcast_in_dim3A_1 = vector.broadcast %broadcast_in_dim3A : f32 to vector<16xf32>
    %broadcast_in_dim3A_2 = arith.constant 1.000000e+00 : f32
    %broadcast_in_dim3A_3 = vector.broadcast %broadcast_in_dim3A_2 : f32 to vector<16xf32>
    %scan3A = arith.constant 0 : i32
    %scan3A_4 = arith.constant 0 : i32
    %scan3A_5 = arith.constant 625 : i32
    %scan3A_6 = arith.addi %scan3A_4, %scan3A_5 : i32
    %scan3A_7 = arith.constant 1 : i32
    %scan3A_8 = scf.for %scan3A_19 = %scan3A_4 to %scan3A_6 step %scan3A_7 iter_args(%scan3A_20 = %scan3A) -> (i32)  : i32 {
      %mul3A_21 = arith.constant 16 : i32
      %mul3A_22 = arith.muli %scan3A_19, %mul3A_21 : i32
      %multiple_of3A = tpu.assume_multiple %mul3A_22, 16 : i32
      %swap3A = arith.index_cast %multiple_of3A : i32 to index
      %swap3A_23 = tpu.vector_load %arg5[%swap3A] {strides = array<i32>} : memref<10000xf32, #tpu.memory_space<vmem>>, vector<16xf32>,
      tpu.vector_store %arg5[%swap3A], %broadcast_in_dim3A_1 {strides = array<i32>} : memref<10000xf32, #tpu.memory_space<vmem>>, vector<16xf32>,
      %scan3A_24 = arith.constant 0 : i32
      scf.yield %scan3A_24 : i32
    }
    %scan3A_9 = arith.constant 625 : i32
    %mul3A_10 = arith.constant 10000 : i32
    %mul3A_11 = arith.muli %add3A, %mul3A_10 : i32
    %scan3A_12 = arith.constant 0 : i32
    %scan3A_13 = arith.constant 0 : i32
    %scan3A_14 = arith.constant 5 : i32
    %scan3A_15 = arith.addi %scan3A_13, %scan3A_14 : i32
    %scan3A_16 = arith.constant 1 : i32
    %scan3A_17 = scf.for %scan3A_19 = %scan3A_13 to %scan3A_15 step %scan3A_16 iter_args(%scan3A_20 = %scan3A_12) -> (i32)  : i32 {
      %mul3A_21 = arith.constant 2000 : i32
      %mul3A_22 = arith.muli %scan3A_19, %mul3A_21 : i32
      %add3A_23 = arith.addi %mul3A_11, %mul3A_22 : i32
      "tpu.region"() ({
        %run_scoped3A = tpu.sem_alloc : memref<!tpu.dma_semaphore, #tpu.memory_space<semaphore_mem>>
        %dma_start3A = tpu.memref_slice %arg2[%add3A_23] : memref<320000xi32, #tpu.memory_space<hbm>> -> memref<2000xi32, #tpu.memory_space<hbm>>
        %dma_start3A_32 = tpu.memref_slice %arg2[%add3A_23] : memref<320000xi32, #tpu.memory_space<hbm>> -> memref<2000xi32, #tpu.memory_space<hbm>>
        tpu.enqueue_dma source(%dma_start3A_32 : memref<2000xi32, #tpu.memory_space<hbm>>) target(%arg4 : memref<2000xi32, #tpu.memory_space<vmem>>) target_semaphore(%run_scoped3A : memref<!tpu.dma_semaphore, #tpu.memory_space<semaphore_mem>>)
        %dma_wait3A = tpu.memref_slice %arg2[%add3A_23] : memref<320000xi32, #tpu.memory_space<hbm>> -> memref<2000xi32, #tpu.memory_space<hbm>>
        %dma_wait3A_33 = tpu.memref_slice %arg2[%add3A_23] : memref<320000xi32, #tpu.memory_space<hbm>> -> memref<2000xi32, #tpu.memory_space<hbm>>
        tpu.wait_dma2 semaphore(%run_scoped3A : memref<!tpu.dma_semaphore, #tpu.memory_space<semaphore_mem>>) src(%dma_wait3A_33 : memref<2000xi32, #tpu.memory_space<hbm>>) dst(%arg4 : memref<2000xi32, #tpu.memory_space<vmem>>)
        tpu.yield
      }) : () -> ()
      %scan3A_24 = arith.constant 0 : i32
      %scan3A_25 = arith.constant 0 : i32
      %scan3A_26 = arith.constant 125 : i32
      %scan3A_27 = arith.addi %scan3A_25, %scan3A_26 : i32
      %scan3A_28 = arith.constant 1 : i32
      %scan3A_29 = scf.for %scan3A_32 = %scan3A_25 to %scan3A_27 step %scan3A_28 iter_args(%scan3A_33 = %scan3A_24) -> (i32)  : i32 {
        %mul3A_34 = arith.constant 16 : i32
        %mul3A_35 = arith.muli %scan3A_32, %mul3A_34 : i32
        %multiple_of3A = tpu.assume_multiple %mul3A_35, 16 : i32
        %get3A = arith.index_cast %multiple_of3A : i32 to index
        %get3A_36 = tpu.vector_load %arg4[%get3A] {strides = array<i32>} : memref<2000xi32, #tpu.memory_space<vmem>>, vector<16xi32>,
        tpu.vector_store_idx %arg5[%get3A_36], %broadcast_in_dim3A_3 {add = true} : memref<10000xf32, #tpu.memory_space<vmem>>[vector<16xi32>], vector<16xf32>,
        %scan3A_37 = arith.constant 0 : i32
        scf.yield %scan3A_37 : i32
      }
      %scan3A_30 = arith.constant 125 : i32
      %scan3A_31 = arith.constant 0 : i32
      scf.yield %scan3A_31 : i32
    }
    %scan3A_18 = arith.constant 5 : i32
    "tpu.region"() ({
      %run_scoped3A = tpu.sem_alloc : memref<!tpu.dma_semaphore, #tpu.memory_space<semaphore_mem>>
      %dma_start3A = arith.constant 0 : i32
      %dma_start3A_19 = tpu.memref_slice %arg3[%add3A, %dma_start3A] : memref<32x10000xf32, #tpu.memory_space<hbm>> -> memref<1x10000xf32, #tpu.memory_space<hbm>>
      %dma_start3A_20 = tpu.memref_squeeze %dma_start3A_19 : memref<1x10000xf32, #tpu.memory_space<hbm>> -> memref<10000xf32, #tpu.memory_space<hbm>>
      %dma_start3A_21 = arith.constant 0 : i32
      %dma_start3A_22 = tpu.memref_slice %arg3[%add3A, %dma_start3A_21] : memref<32x10000xf32, #tpu.memory_space<hbm>> -> memref<1x10000xf32, #tpu.memory_space<hbm>>
      %dma_start3A_23 = tpu.memref_squeeze %dma_start3A_22 : memref<1x10000xf32, #tpu.memory_space<hbm>> -> memref<10000xf32, #tpu.memory_space<hbm>>
      tpu.enqueue_dma source(%arg5 : memref<10000xf32, #tpu.memory_space<vmem>>) target(%dma_start3A_23 : memref<10000xf32, #tpu.memory_space<hbm>>) target_semaphore(%run_scoped3A : memref<!tpu.dma_semaphore, #tpu.memory_space<semaphore_mem>>)
      %dma_wait3A = arith.constant 0 : i32
      %dma_wait3A_24 = tpu.memref_slice %arg3[%add3A, %dma_wait3A] : memref<32x10000xf32, #tpu.memory_space<hbm>> -> memref<1x10000xf32, #tpu.memory_space<hbm>>
      %dma_wait3A_25 = tpu.memref_squeeze %dma_wait3A_24 : memref<1x10000xf32, #tpu.memory_space<hbm>> -> memref<10000xf32, #tpu.memory_space<hbm>>
      %dma_wait3A_26 = arith.constant 0 : i32
      %dma_wait3A_27 = tpu.memref_slice %arg3[%add3A, %dma_wait3A_26] : memref<32x10000xf32, #tpu.memory_space<hbm>> -> memref<1x10000xf32, #tpu.memory_space<hbm>>
      %dma_wait3A_28 = tpu.memref_squeeze %dma_wait3A_27 : memref<1x10000xf32, #tpu.memory_space<hbm>> -> memref<10000xf32, #tpu.memory_space<hbm>>
      tpu.wait_dma2 semaphore(%run_scoped3A : memref<!tpu.dma_semaphore, #tpu.memory_space<semaphore_mem>>) src(%arg5 : memref<10000xf32, #tpu.memory_space<vmem>>) dst(%dma_wait3A_28 : memref<10000xf32, #tpu.memory_space<hbm>>)
      tpu.yield
    }) : () -> ()
    return
  }
}

module attributes {stable_mosaic.version = 14 : i64} {
  func.func @_dense_body(%arg0: i32, %arg1: memref<1000x128xf32, #tpu.memory_space<vmem>>, %arg2: memref<1x1000x1xi32, #tpu.memory_space<vmem>>, %arg3: memref<1x1000x32xf32, #tpu.memory_space<vmem>>, %arg4: memref<100x128x128xf32, #tpu.memory_space<vmem>>, %arg5: memref<128x128xf32, #tpu.memory_space<vmem>>, %arg6: memref<1x128xf32, #tpu.memory_space<vmem>>, %arg7: memref<1x128xf32, #tpu.memory_space<vmem>>, %arg8: memref<1x128xf32, #tpu.memory_space<vmem>>, %arg9: memref<1x128xf32, #tpu.memory_space<vmem>>, %arg10: memref<1x128xf32, #tpu.memory_space<vmem>>, %arg11: memref<1x128xf32, #tpu.memory_space<vmem>>, %arg12: memref<1000x128xf32, #tpu.memory_space<vmem>>, %arg13: memref<1000x128xf32, #tpu.memory_space<vmem>>, %arg14: memref<1000x128xf32, #tpu.memory_space<vmem>>, %arg15: memref<1x1000x1xf32, #tpu.memory_space<vmem>>) attributes {dimension_semantics = [#tpu.dimension_semantics<arbitrary>], iteration_bounds = array<i64: 10>, scalar_prefetch = 0 : i64, scratch_operands = 0 : i64, tpu.core_type = #tpu.core_type<tc>, window_params = [{transform_indices = @transform_0, window_bounds = array<i64: 1000, 128>}, {transform_indices = @transform_1, window_bounds = array<i64: 1, 1000, 1>}, {transform_indices = @transform_2, window_bounds = array<i64: 1, 1000, 32>}, {pipeline_mode = #tpu.pipeline_mode<synchronous>, transform_indices = @transform_3, window_bounds = array<i64: 100, 128, 128>}, {pipeline_mode = #tpu.pipeline_mode<synchronous>, transform_indices = @transform_4, window_bounds = array<i64: 128, 128>}, {pipeline_mode = #tpu.pipeline_mode<synchronous>, transform_indices = @transform_5, window_bounds = array<i64: 1, 128>}, {pipeline_mode = #tpu.pipeline_mode<synchronous>, transform_indices = @transform_6, window_bounds = array<i64: 1, 128>}, {pipeline_mode = #tpu.pipeline_mode<synchronous>, transform_indices = @transform_7, window_bounds = array<i64: 1, 128>}, {pipeline_mode = #tpu.pipeline_mode<synchronous>, transform_indices = @transform_8, window_bounds = array<i64: 1, 128>}, {pipeline_mode = #tpu.pipeline_mode<synchronous>, transform_indices = @transform_9, window_bounds = array<i64: 1, 128>}, {pipeline_mode = #tpu.pipeline_mode<synchronous>, transform_indices = @transform_10, window_bounds = array<i64: 1, 128>}, {transform_indices = @transform_11, window_bounds = array<i64: 1000, 128>}, {transform_indices = @transform_12, window_bounds = array<i64: 1000, 128>}, {transform_indices = @transform_13, window_bounds = array<i64: 1000, 128>}, {transform_indices = @transform_14, window_bounds = array<i64: 1, 1000, 1>}]} {
    %get3A = arith.constant 0 : index
    %get3A_0 = arith.constant 0 : index
    %get3A_1 = vector.load %arg1[%get3A, %get3A_0] : memref<1000x128xf32, #tpu.memory_space<vmem>>, vector<1000x128xf32>
    %get3A_2 = arith.constant 0 : index
    %get3A_3 = arith.constant 0 : index
    %get3A_4 = arith.constant 0 : index
    %get3A_5 = vector.load %arg2[%get3A_2, %get3A_3, %get3A_4] : memref<1x1000x1xi32, #tpu.memory_space<vmem>>, vector<1x1000x1xi32>
    %get3A_6 = vector.shape_cast %get3A_5 : vector<1x1000x1xi32> to vector<1000x1xi32>
    %convert_element_type3A = arith.truncf %get3A_1 : vector<1000x128xf32> to vector<1000x128xbf16>
    %broadcast_in_dim3A = arith.constant 0.000000e+00 : f32
    %broadcast_in_dim3A_7 = vector.broadcast %broadcast_in_dim3A : f32 to vector<1000x128xf32>
    %scan3A = arith.constant 0 : i32
    %scan3A_8 = arith.constant 100 : i32
    %scan3A_9 = arith.addi %scan3A, %scan3A_8 : i32
    %scan3A_10 = arith.constant 1 : i32
    %scan3A_11 = scf.for %scan3A_131 = %scan3A to %scan3A_9 step %scan3A_10 iter_args(%scan3A_132 = %broadcast_in_dim3A_7) -> (vector<1000x128xf32>)  : i32 {
      %eq3A = vector.broadcast %scan3A_131 : i32 to vector<1000x1xi32>
      %eq3A_133 = arith.cmpi eq, %get3A_6, %eq3A : vector<1000x1xi32>
      %broadcast_in_dim3A_134 = arith.constant 0.000000e+00 : bf16
      %broadcast_in_dim3A_135 = vector.broadcast %broadcast_in_dim3A_134 : bf16 to vector<1000x128xbf16>
      %broadcast_in_dim3A_136 = vector.shape_cast %eq3A_133 : vector<1000x1xi1> to vector<1000x1xi1>
      %broadcast_in_dim3A_137 = vector.broadcast %broadcast_in_dim3A_136 : vector<1000x1xi1> to vector<1000x128xi1>
      %select_n3A = arith.select %broadcast_in_dim3A_137, %convert_element_type3A, %broadcast_in_dim3A_135 : vector<1000x128xi1>, vector<1000x128xbf16>
      %get3A_138 = arith.index_cast %scan3A_131 : i32 to index
      %get3A_139 = arith.constant 0 : index
      %get3A_140 = arith.constant 0 : index
      %get3A_141 = vector.load %arg4[%get3A_138, %get3A_139, %get3A_140] : memref<100x128x128xf32, #tpu.memory_space<vmem>>, vector<1x128x128xf32>
      %get3A_142 = vector.shape_cast %get3A_141 : vector<1x128x128xf32> to vector<128x128xf32>
      %convert_element_type3A_143 = arith.truncf %get3A_142 : vector<128x128xf32> to vector<128x128xbf16>
      %dot_general3A_144 = arith.constant dense<0.000000e+00> : vector<1000x128xf32>
      %dot_general3A_145 = tpu.matmul %select_n3A, %convert_element_type3A_143, %dot_general3A_144 {dimension_numbers = #tpu.dot_dimension_numbers<[1], [0], [0], [1], [0, 0, 1, 1], [], []>, transpose_lhs_hint = false} : vector<1000x128xbf16>, vector<128x128xbf16>, vector<1000x128xf32> -> vector<1000x128xf32>
      %add3A_146 = arith.addf %scan3A_132, %dot_general3A_145 : vector<1000x128xf32>
      scf.yield %add3A_146 : vector<1000x128xf32>
    }
    %scan3A_12 = arith.constant 100 : i32
    %get3A_13 = arith.constant 0 : index
    %get3A_14 = arith.constant 0 : index
    %get3A_15 = vector.load %arg6[%get3A_13, %get3A_14] : memref<1x128xf32, #tpu.memory_space<vmem>>, vector<1x128xf32>
    %get3A_16 = vector.shape_cast %get3A_15 : vector<1x128xf32> to vector<128xf32>
    %get3A_17 = arith.constant 0 : index
    %get3A_18 = arith.constant 0 : index
    %get3A_19 = vector.load %arg7[%get3A_17, %get3A_18] : memref<1x128xf32, #tpu.memory_space<vmem>>, vector<1x128xf32>
    %get3A_20 = vector.shape_cast %get3A_19 : vector<1x128xf32> to vector<128xf32>
    %reduce_sum3A = arith.constant dense<0.000000e+00> : vector<1000xf32>
    %reduce_sum3A_21 = vector.multi_reduction <add>, %scan3A_11, %reduce_sum3A [1] : vector<1000x128xf32> to vector<1000xf32>
    %broadcast_in_dim3A_22 = vector.shape_cast %reduce_sum3A_21 : vector<1000xf32> to vector<1000x1xf32>
    %div3A = arith.constant 1.280000e+02 : f32
    %div3A_23 = vector.broadcast %div3A : f32 to vector<1000x1xf32>
    %div3A_24 = arith.divf %broadcast_in_dim3A_22, %div3A_23 : vector<1000x1xf32>
    %sub3A = vector.broadcast %div3A_24 : vector<1000x1xf32> to vector<1000x128xf32>
    %sub3A_25 = arith.subf %scan3A_11, %sub3A : vector<1000x128xf32>
    %integer_pow3A = arith.mulf %sub3A_25, %sub3A_25 : vector<1000x128xf32>
    %reduce_sum3A_26 = arith.constant dense<0.000000e+00> : vector<1000xf32>
    %reduce_sum3A_27 = vector.multi_reduction <add>, %integer_pow3A, %reduce_sum3A_26 [1] : vector<1000x128xf32> to vector<1000xf32>
    %broadcast_in_dim3A_28 = vector.shape_cast %reduce_sum3A_27 : vector<1000xf32> to vector<1000x1xf32>
    %div3A_29 = arith.constant 1.280000e+02 : f32
    %div3A_30 = vector.broadcast %div3A_29 : f32 to vector<1000x1xf32>
    %div3A_31 = arith.divf %broadcast_in_dim3A_28, %div3A_30 : vector<1000x1xf32>
    %sub3A_32 = vector.broadcast %div3A_24 : vector<1000x1xf32> to vector<1000x128xf32>
    %sub3A_33 = arith.subf %scan3A_11, %sub3A_32 : vector<1000x128xf32>
    %add3A = arith.constant 9.99999974E-6 : f32
    %add3A_34 = vector.broadcast %add3A : f32 to vector<1000x1xf32>
    %add3A_35 = arith.addf %div3A_31, %add3A_34 : vector<1000x1xf32>
    %rsqrt3A = math.rsqrt %add3A_35 : vector<1000x1xf32>
    %mul3A = vector.broadcast %rsqrt3A : vector<1000x1xf32> to vector<1000x128xf32>
    %mul3A_36 = arith.mulf %sub3A_33, %mul3A : vector<1000x128xf32>
    %broadcast_in_dim3A_37 = vector.shape_cast %get3A_16 : vector<128xf32> to vector<1x128xf32>
    %mul3A_38 = vector.broadcast %broadcast_in_dim3A_37 : vector<1x128xf32> to vector<1000x128xf32>
    %mul3A_39 = arith.mulf %mul3A_36, %mul3A_38 : vector<1000x128xf32>
    %broadcast_in_dim3A_40 = vector.shape_cast %get3A_20 : vector<128xf32> to vector<1x128xf32>
    %add3A_41 = vector.broadcast %broadcast_in_dim3A_40 : vector<1x128xf32> to vector<1000x128xf32>
    %add3A_42 = arith.addf %mul3A_39, %add3A_41 : vector<1000x128xf32>
    %max3A = arith.constant 0.000000e+00 : f32
    %max3A_43 = vector.broadcast %max3A : f32 to vector<1000x128xf32>
    %max3A_44 = arith.maximumf %add3A_42, %max3A_43 : vector<1000x128xf32>
    %convert_element_type3A_45 = arith.truncf %max3A_44 : vector<1000x128xf32> to vector<1000x128xbf16>
    %get3A_46 = arith.constant 0 : index
    %get3A_47 = arith.constant 0 : index
    %get3A_48 = vector.load %arg5[%get3A_46, %get3A_47] : memref<128x128xf32, #tpu.memory_space<vmem>>, vector<128x128xf32>
    %convert_element_type3A_49 = arith.truncf %get3A_48 : vector<128x128xf32> to vector<128x128xbf16>
    %dot_general3A = arith.constant dense<0.000000e+00> : vector<1000x128xf32>
    %dot_general3A_50 = tpu.matmul %convert_element_type3A_45, %convert_element_type3A_49, %dot_general3A {dimension_numbers = #tpu.dot_dimension_numbers<[1], [1], [0], [0], [0, 0, 1, 0], [], []>, transpose_lhs_hint = false} : vector<1000x128xbf16>, vector<128x128xbf16>, vector<1000x128xf32> -> vector<1000x128xf32>
    %get3A_51 = arith.constant 0 : index
    %get3A_52 = arith.constant 0 : index
    %get3A_53 = vector.load %arg10[%get3A_51, %get3A_52] : memref<1x128xf32, #tpu.memory_space<vmem>>, vector<1x128xf32>
    %get3A_54 = vector.shape_cast %get3A_53 : vector<1x128xf32> to vector<128xf32>
    %broadcast_in_dim3A_55 = vector.shape_cast %get3A_54 : vector<128xf32> to vector<1x128xf32>
    %add3A_56 = vector.broadcast %broadcast_in_dim3A_55 : vector<1x128xf32> to vector<1000x128xf32>
    %add3A_57 = arith.addf %dot_general3A_50, %add3A_56 : vector<1000x128xf32>
    %get3A_58 = arith.constant 0 : index
    %get3A_59 = arith.constant 0 : index
    %get3A_60 = vector.load %arg8[%get3A_58, %get3A_59] : memref<1x128xf32, #tpu.memory_space<vmem>>, vector<1x128xf32>
    %get3A_61 = vector.shape_cast %get3A_60 : vector<1x128xf32> to vector<128xf32>
    %get3A_62 = arith.constant 0 : index
    %get3A_63 = arith.constant 0 : index
    %get3A_64 = vector.load %arg9[%get3A_62, %get3A_63] : memref<1x128xf32, #tpu.memory_space<vmem>>, vector<1x128xf32>
    %get3A_65 = vector.shape_cast %get3A_64 : vector<1x128xf32> to vector<128xf32>
    %reduce_sum3A_66 = arith.constant dense<0.000000e+00> : vector<1000xf32>
    %reduce_sum3A_67 = vector.multi_reduction <add>, %add3A_57, %reduce_sum3A_66 [1] : vector<1000x128xf32> to vector<1000xf32>
    %broadcast_in_dim3A_68 = vector.shape_cast %reduce_sum3A_67 : vector<1000xf32> to vector<1000x1xf32>
    %div3A_69 = arith.constant 1.280000e+02 : f32
    %div3A_70 = vector.broadcast %div3A_69 : f32 to vector<1000x1xf32>
    %div3A_71 = arith.divf %broadcast_in_dim3A_68, %div3A_70 : vector<1000x1xf32>
    %sub3A_72 = vector.broadcast %div3A_71 : vector<1000x1xf32> to vector<1000x128xf32>
    %sub3A_73 = arith.subf %add3A_57, %sub3A_72 : vector<1000x128xf32>
    %integer_pow3A_74 = arith.mulf %sub3A_73, %sub3A_73 : vector<1000x128xf32>
    %reduce_sum3A_75 = arith.constant dense<0.000000e+00> : vector<1000xf32>
    %reduce_sum3A_76 = vector.multi_reduction <add>, %integer_pow3A_74, %reduce_sum3A_75 [1] : vector<1000x128xf32> to vector<1000xf32>
    %broadcast_in_dim3A_77 = vector.shape_cast %reduce_sum3A_76 : vector<1000xf32> to vector<1000x1xf32>
    %div3A_78 = arith.constant 1.280000e+02 : f32
    %div3A_79 = vector.broadcast %div3A_78 : f32 to vector<1000x1xf32>
    %div3A_80 = arith.divf %broadcast_in_dim3A_77, %div3A_79 : vector<1000x1xf32>
    %sub3A_81 = vector.broadcast %div3A_71 : vector<1000x1xf32> to vector<1000x128xf32>
    %sub3A_82 = arith.subf %add3A_57, %sub3A_81 : vector<1000x128xf32>
    %add3A_83 = arith.constant 9.99999974E-6 : f32
    %add3A_84 = vector.broadcast %add3A_83 : f32 to vector<1000x1xf32>
    %add3A_85 = arith.addf %div3A_80, %add3A_84 : vector<1000x1xf32>
    %rsqrt3A_86 = math.rsqrt %add3A_85 : vector<1000x1xf32>
    %mul3A_87 = vector.broadcast %rsqrt3A_86 : vector<1000x1xf32> to vector<1000x128xf32>
    %mul3A_88 = arith.mulf %sub3A_82, %mul3A_87 : vector<1000x128xf32>
    %broadcast_in_dim3A_89 = vector.shape_cast %get3A_61 : vector<128xf32> to vector<1x128xf32>
    %mul3A_90 = vector.broadcast %broadcast_in_dim3A_89 : vector<1x128xf32> to vector<1000x128xf32>
    %mul3A_91 = arith.mulf %mul3A_88, %mul3A_90 : vector<1000x128xf32>
    %broadcast_in_dim3A_92 = vector.shape_cast %get3A_65 : vector<128xf32> to vector<1x128xf32>
    %add3A_93 = vector.broadcast %broadcast_in_dim3A_92 : vector<1x128xf32> to vector<1000x128xf32>
    %add3A_94 = arith.addf %mul3A_91, %add3A_93 : vector<1000x128xf32>
    %get3A_95 = arith.constant 0 : index
    %get3A_96 = arith.constant 0 : index
    %get3A_97 = arith.constant 0 : index
    %get3A_98 = vector.load %arg3[%get3A_95, %get3A_96, %get3A_97] : memref<1x1000x32xf32, #tpu.memory_space<vmem>>, vector<1x1000x32xf32>
    %get3A_99 = vector.shape_cast %get3A_98 : vector<1x1000x32xf32> to vector<1000x32xf32>
    %reduce_sum3A_100 = arith.constant dense<0.000000e+00> : vector<1000xf32>
    %reduce_sum3A_101 = vector.multi_reduction <add>, %get3A_99, %reduce_sum3A_100 [1] : vector<1000x32xf32> to vector<1000xf32>
    %broadcast_in_dim3A_102 = vector.shape_cast %reduce_sum3A_101 : vector<1000xf32> to vector<1000x1xf32>
    %add3A_103 = arith.constant 1.000000e+00 : f32
    %add3A_104 = vector.broadcast %add3A_103 : f32 to vector<1000x1xf32>
    %add3A_105 = arith.addf %add3A_104, %broadcast_in_dim3A_102 : vector<1000x1xf32>
    %rsqrt3A_106 = math.rsqrt %add3A_105 : vector<1000x1xf32>
    %swap3A = arith.constant 0 : index
    %swap3A_107 = arith.constant 0 : index
    %swap3A_108 = vector.load %arg12[%swap3A, %swap3A_107] : memref<1000x128xf32, #tpu.memory_space<vmem>>, vector<1000x128xf32>
    tpu.vector_store %arg12[%swap3A, %swap3A_107], %add3A_94 {strides = array<i32>} : memref<1000x128xf32, #tpu.memory_space<vmem>>, vector<1000x128xf32>,
    %mul3A_109 = vector.broadcast %rsqrt3A_106 : vector<1000x1xf32> to vector<1000x128xf32>
    %mul3A_110 = arith.mulf %add3A_94, %mul3A_109 : vector<1000x128xf32>
    %get3A_111 = arith.constant 0 : index
    %get3A_112 = arith.constant 0 : index
    %get3A_113 = vector.load %arg11[%get3A_111, %get3A_112] : memref<1x128xf32, #tpu.memory_space<vmem>>, vector<1x128xf32>
    %mul3A_114 = vector.broadcast %get3A_113 : vector<1x128xf32> to vector<1000x128xf32>
    %mul3A_115 = arith.mulf %mul3A_110, %mul3A_114 : vector<1000x128xf32>
    %swap3A_116 = arith.constant 0 : index
    %swap3A_117 = arith.constant 0 : index
    %swap3A_118 = vector.load %arg13[%swap3A_116, %swap3A_117] : memref<1000x128xf32, #tpu.memory_space<vmem>>, vector<1000x128xf32>
    tpu.vector_store %arg13[%swap3A_116, %swap3A_117], %mul3A_115 {strides = array<i32>} : memref<1000x128xf32, #tpu.memory_space<vmem>>, vector<1000x128xf32>,
    %mul3A_119 = arith.mulf %rsqrt3A_106, %rsqrt3A_106 : vector<1000x1xf32>
    %mul3A_120 = vector.broadcast %mul3A_119 : vector<1000x1xf32> to vector<1000x128xf32>
    %mul3A_121 = arith.mulf %add3A_94, %mul3A_120 : vector<1000x128xf32>
    %swap3A_122 = arith.constant 0 : index
    %swap3A_123 = arith.constant 0 : index
    %swap3A_124 = vector.load %arg14[%swap3A_122, %swap3A_123] : memref<1000x128xf32, #tpu.memory_space<vmem>>, vector<1000x128xf32>
    tpu.vector_store %arg14[%swap3A_122, %swap3A_123], %mul3A_121 {strides = array<i32>} : memref<1000x128xf32, #tpu.memory_space<vmem>>, vector<1000x128xf32>,
    %swap3A_125 = arith.constant 0 : index
    %swap3A_126 = arith.constant 0 : index
    %swap3A_127 = arith.constant 0 : index
    %swap3A_128 = vector.load %arg15[%swap3A_125, %swap3A_126, %swap3A_127] : memref<1x1000x1xf32, #tpu.memory_space<vmem>>, vector<1x1000x1xf32>
    %swap3A_129 = vector.shape_cast %swap3A_128 : vector<1x1000x1xf32> to vector<1000x1xf32>
    %swap3A_130 = vector.shape_cast %rsqrt3A_106 : vector<1000x1xf32> to vector<1x1000x1xf32>
    tpu.vector_store %arg15[%swap3A_125, %swap3A_126, %swap3A_127], %swap3A_130 {strides = array<i32>} : memref<1x1000x1xf32, #tpu.memory_space<vmem>>, vector<1x1000x1xf32>,
    return
  }
  func.func @transform_0(%arg0: i32) -> (i32, i32) {
    %c0_i32 = arith.constant 0 : i32
    %c0_i32_0 = arith.constant 0 : i32
    return %arg0, %c0_i32 : i32, i32
  }
  func.func @transform_1(%arg0: i32) -> (i32, i32, i32) {
    %c0_i32 = arith.constant 0 : i32
    %c0_i32_0 = arith.constant 0 : i32
    %c0_i32_1 = arith.constant 0 : i32
    return %arg0, %c0_i32, %c0_i32_0 : i32, i32, i32
  }
  func.func @transform_2(%arg0: i32) -> (i32, i32, i32) {
    %c0_i32 = arith.constant 0 : i32
    %c0_i32_0 = arith.constant 0 : i32
    %c0_i32_1 = arith.constant 0 : i32
    return %arg0, %c0_i32, %c0_i32_0 : i32, i32, i32
  }
  func.func @transform_3(%arg0: i32) -> (i32, i32, i32) {
    %c0_i32 = arith.constant 0 : i32
    %c0_i32_0 = arith.constant 0 : i32
    %c0_i32_1 = arith.constant 0 : i32
    %c0_i32_2 = arith.constant 0 : i32
    return %c0_i32, %c0_i32_0, %c0_i32_1 : i32, i32, i32
  }
  func.func @transform_4(%arg0: i32) -> (i32, i32) {
    %c0_i32 = arith.constant 0 : i32
    %c0_i32_0 = arith.constant 0 : i32
    %c0_i32_1 = arith.constant 0 : i32
    return %c0_i32, %c0_i32_0 : i32, i32
  }
  func.func @transform_5(%arg0: i32) -> (i32, i32) {
    %c0_i32 = arith.constant 0 : i32
    %c0_i32_0 = arith.constant 0 : i32
    %c0_i32_1 = arith.constant 0 : i32
    return %c0_i32, %c0_i32_0 : i32, i32
  }
  func.func @transform_6(%arg0: i32) -> (i32, i32) {
    %c0_i32 = arith.constant 0 : i32
    %c0_i32_0 = arith.constant 0 : i32
    %c0_i32_1 = arith.constant 0 : i32
    return %c0_i32, %c0_i32_0 : i32, i32
  }
  func.func @transform_7(%arg0: i32) -> (i32, i32) {
    %c0_i32 = arith.constant 0 : i32
    %c0_i32_0 = arith.constant 0 : i32
    %c0_i32_1 = arith.constant 0 : i32
    return %c0_i32, %c0_i32_0 : i32, i32
  }
  func.func @transform_8(%arg0: i32) -> (i32, i32) {
    %c0_i32 = arith.constant 0 : i32
    %c0_i32_0 = arith.constant 0 : i32
    %c0_i32_1 = arith.constant 0 : i32
    return %c0_i32, %c0_i32_0 : i32, i32
  }
  func.func @transform_9(%arg0: i32) -> (i32, i32) {
    %c0_i32 = arith.constant 0 : i32
    %c0_i32_0 = arith.constant 0 : i32
    %c0_i32_1 = arith.constant 0 : i32
    return %c0_i32, %c0_i32_0 : i32, i32
  }
  func.func @transform_10(%arg0: i32) -> (i32, i32) {
    %c0_i32 = arith.constant 0 : i32
    %c0_i32_0 = arith.constant 0 : i32
    %c0_i32_1 = arith.constant 0 : i32
    return %c0_i32, %c0_i32_0 : i32, i32
  }
  func.func @transform_11(%arg0: i32) -> (i32, i32) {
    %c0_i32 = arith.constant 0 : i32
    %c0_i32_0 = arith.constant 0 : i32
    return %arg0, %c0_i32 : i32, i32
  }
  func.func @transform_12(%arg0: i32) -> (i32, i32) {
    %c0_i32 = arith.constant 0 : i32
    %c0_i32_0 = arith.constant 0 : i32
    return %arg0, %c0_i32 : i32, i32
  }
  func.func @transform_13(%arg0: i32) -> (i32, i32) {
    %c0_i32 = arith.constant 0 : i32
    %c0_i32_0 = arith.constant 0 : i32
    return %arg0, %c0_i32 : i32, i32
  }
  func.func @transform_14(%arg0: i32) -> (i32, i32, i32) {
    %c0_i32 = arith.constant 0 : i32
    %c0_i32_0 = arith.constant 0 : i32
    %c0_i32_1 = arith.constant 0 : i32
    return %arg0, %c0_i32, %c0_i32_0 : i32, i32, i32
  }
}

module attributes {stable_mosaic.version = 14 : i64} {
  func.func @_combine_body(%arg0: i32, %arg1: memref<2x1000x128xf32, #tpu.memory_space<vmem>>, %arg2: memref<1000x128xf32, #tpu.memory_space<vmem>>, %arg3: memref<1x1000x1xf32, #tpu.memory_space<vmem>>, %arg4: memref<1000x128xf32, #tpu.memory_space<vmem>>) attributes {dimension_semantics = [#tpu.dimension_semantics<arbitrary>], iteration_bounds = array<i64: 10>, scalar_prefetch = 0 : i64, scratch_operands = 0 : i64, tpu.core_type = #tpu.core_type<tc>, window_params = [{transform_indices = @transform_0, window_bounds = array<i64: 2, 1000, 128>}, {transform_indices = @transform_1, window_bounds = array<i64: 1000, 128>}, {transform_indices = @transform_2, window_bounds = array<i64: 1, 1000, 1>}, {transform_indices = @transform_3, window_bounds = array<i64: 1000, 128>}]} {
    %get3A = arith.constant 0 : index
    %get3A_0 = arith.constant 0 : index
    %get3A_1 = arith.constant 0 : index
    %get3A_2 = vector.load %arg1[%get3A, %get3A_0, %get3A_1] : memref<2x1000x128xf32, #tpu.memory_space<vmem>>, vector<1x1000x128xf32>
    %get3A_3 = vector.shape_cast %get3A_2 : vector<1x1000x128xf32> to vector<1000x128xf32>
    %get3A_4 = arith.constant 1 : index
    %get3A_5 = arith.constant 0 : index
    %get3A_6 = arith.constant 0 : index
    %get3A_7 = vector.load %arg1[%get3A_4, %get3A_5, %get3A_6] : memref<2x1000x128xf32, #tpu.memory_space<vmem>>, vector<1x1000x128xf32>
    %get3A_8 = vector.shape_cast %get3A_7 : vector<1x1000x128xf32> to vector<1000x128xf32>
    %add3A = arith.addf %get3A_3, %get3A_8 : vector<1000x128xf32>
    %get3A_9 = arith.constant 0 : index
    %get3A_10 = arith.constant 0 : index
    %get3A_11 = arith.constant 0 : index
    %get3A_12 = vector.load %arg3[%get3A_9, %get3A_10, %get3A_11] : memref<1x1000x1xf32, #tpu.memory_space<vmem>>, vector<1x1000x1xf32>
    %get3A_13 = vector.shape_cast %get3A_12 : vector<1x1000x1xf32> to vector<1000x1xf32>
    %mul3A = vector.broadcast %get3A_13 : vector<1000x1xf32> to vector<1000x128xf32>
    %mul3A_14 = arith.mulf %add3A, %mul3A : vector<1000x128xf32>
    %get3A_15 = arith.constant 0 : index
    %get3A_16 = arith.constant 0 : index
    %get3A_17 = vector.load %arg2[%get3A_15, %get3A_16] : memref<1000x128xf32, #tpu.memory_space<vmem>>, vector<1000x128xf32>
    %add3A_18 = arith.addf %mul3A_14, %get3A_17 : vector<1000x128xf32>
    %max3A = arith.constant 0.000000e+00 : f32
    %max3A_19 = vector.broadcast %max3A : f32 to vector<1000x128xf32>
    %max3A_20 = arith.maximumf %add3A_18, %max3A_19 : vector<1000x128xf32>
    %swap3A = arith.constant 0 : index
    %swap3A_21 = arith.constant 0 : index
    %swap3A_22 = vector.load %arg4[%swap3A, %swap3A_21] : memref<1000x128xf32, #tpu.memory_space<vmem>>, vector<1000x128xf32>
    tpu.vector_store %arg4[%swap3A, %swap3A_21], %max3A_20 {strides = array<i32>} : memref<1000x128xf32, #tpu.memory_space<vmem>>, vector<1000x128xf32>,
    return
  }
  func.func @transform_0(%arg0: i32) -> (i32, i32, i32) {
    %c0_i32 = arith.constant 0 : i32
    %c0_i32_0 = arith.constant 0 : i32
    %c0_i32_1 = arith.constant 0 : i32
    return %c0_i32, %arg0, %c0_i32_0 : i32, i32, i32
  }
  func.func @transform_1(%arg0: i32) -> (i32, i32) {
    %c0_i32 = arith.constant 0 : i32
    %c0_i32_0 = arith.constant 0 : i32
    return %arg0, %c0_i32 : i32, i32
  }
  func.func @transform_2(%arg0: i32) -> (i32, i32, i32) {
    %c0_i32 = arith.constant 0 : i32
    %c0_i32_0 = arith.constant 0 : i32
    %c0_i32_1 = arith.constant 0 : i32
    return %arg0, %c0_i32, %c0_i32_0 : i32, i32, i32
  }
  func.func @transform_3(%arg0: i32) -> (i32, i32) {
    %c0_i32 = arith.constant 0 : i32
    %c0_i32_0 = arith.constant 0 : i32
    return %arg0, %c0_i32 : i32, i32
  }
}

</mosaic_0001>

<sc_bundles>
// kernel: kernel.6.cloned.1.call-start
scs
__scs_entry_jumppad:
0x0: {  	(pc) =	sbr.rel $0x88, $3  }
0x1: {  	(tag) =	ssettag $0x0;
	lr =	simm.s32 $0x1  }
0x2: {  	[smem:$0x3F95] =	sst lr;
	_ =	strace $0xD0000000  }
0x3: {  	_ = 	snop  }
0x4: {  	_ = 	snop  }
0x5: {  	_ = 	snop  }
0x6: {  	_ = 	snop  }
0x7: {  	_ = 	snop  }
__scs_overlays_trampoline_lowered:
0x8: {  	[smem:$0x3FA4] =	sst s0  }
0x9: {  	[smem:$0x3FA5] =	sst s1  }
0xa: {  	[smem:$0x3FA6] =	sst s2  }
0xb: {  	[smem:$0x3FA7] =	sst s3  }
0xc: {  	[smem:$0x3FA8] =	sst s4  }
0xd: {  	[smem:$0x3FA9] =	sst s5  }
0xe: {  	[smem:$0x3FAA] =	sst s6  }
0xf: {  	[smem:$0x3FAB] =	sst s7  }
0x10: {  	[smem:$0x3FAC] =	sst s8  }
0x11: {  	[smem:$0x3FAD] =	sst s9;
	s0 =	simm.s32 @!p0 $0x0  }
0x12: {  	s1 =	sld [smem:$0x3F93];
	s0 =	simm.s32 @p0 $0x1  }
0x13: {  	[smem:$0x3FAE] =	sst s0;
	s0 =	simm.s32 @!p1 $0x0  }
0x14: {  	s2 =	sld [smem:$0x3F92];
	s0 =	simm.s32 @p1 $0x1  }
0x15: {  	[smem:$0x3FAF] =	sst s0;
	s0 =	simm.s32 @!p2 $0x0  }
0x16: {  	s3 =	sld [smem:$0x3FDB];
	s0 =	simm.s32 @p2 $0x1  }
0x17: {  	s4 =	simm.s32 $0x1BF5;
	[smem:$0x3FB1] =	sst s0  }
0x18: {  	s0 =	sld [smem:$0x3F94];
	_ =	swait.ge [sflag:s4], $0x0  }
0x19: {  	s7 =	sld [smem:$0x3F95]  }
0x1a: {  	s8 =	sadd.s32 $0xFFFFE003, lr  }
0x1b: {  	s9 =	sadd.s32 $0xFFFFFEF7, lr;
	s5 =	simm.s32 $0xFFFFFFFF;
	p2 =	slt.u32 s8, $0xFFFFF086  }
0x1c: {  	p1 =	slt.u32 s9, $0xF7A;
	s5 =	simm.s32 @!p2 $0x0  }
0x1d: {  	s5 =	simm.s32 @p1 $0x1;
	p0 =	seq.s32 s7, s2  }
0x1e: {  	s7 =	smul.u32 @!p0 $0xF7A, s2;
	p2 =	seq.s32 @!p0 s5, $0x0  }
0x1f: {  	s9 =	smul.u32 $0xF7A, s1;
	s8 =	simm.s32 @!p0 $0x1BF5;
	p2 =	por !p2, p0  }
0x20: {  	[sflag:s8] =	ssyncset.s32 @!p0 $0xFFFFF086;
	s6 =	sadd.s32 @!p0 s3, s7;
	s7 =	simm.s32 @!p0 $0x108  }
0x21: {  	s3 =	sadd.s32 s3, s9;
	s6 =	sadd.s32 @!p0 $0x88, s6;
	s7 =	simm.s32 @p2 $0x1082  }
0x22: {  	[simem:s7], [sflag:s8] =	dma.local @!p0 [hbm:s6], $0xF7A  }
0x23: {  	s9 =	sor.u32 $0xD0000000, s2;
	s6 =	simm.s32 $0x108;
	_ =	swait.ge @!p0 [sflag:s8], $0x0  }
0x24: {  	s3 =	sadd.s32 $0x88, s3;
	s6 =	simm.s32 @!p1 $0x1082;
	[sflag:s4] =	ssyncset.s32 $0xFFFFF086  }
0x25: {  	[simem:s6], [sflag:s4] =	dma.local [hbm:s3], $0xF7A  }
0x26: {  	[smem:$0x3F95] =	sst s1;
	(tag) =	ssettag s2;
	_ =	strace s9  }
0x27: {  	s1 =	sld [smem:$0x3FA5]  }
0x28: {  	s2 =	sld [smem:$0x3FA6]  }
0x29: {  	s4 =	sld [smem:$0x3FA8]  }
0x2a: {  	p0 =	seq.s32 s5, $0x0;
	s5 =	sld [smem:$0x3FA9]  }
0x2b: {  	s6 =	sld [smem:$0x3FAA]  }
0x2c: {  	s7 =	sld [smem:$0x3FAB]  }
0x2d: {  	s3 =	simm.s32 $0x108;
	s8 =	sld [smem:$0x3FAC]  }
0x2e: {  	s3 =	simm.s32 @!p0 $0x1082;
	s9 =	sld [smem:$0x3FAD]  }
0x2f: {  	lr =	sadd.s32 s0, s3;
	s0 =	sld [smem:$0x3FA4]  }
0x30: {  	s3 =	sld [smem:$0x3FA7]  }
0x31: {  	[smem:$0x3FB0] =	sst s10  }
0x32: {  	s10 =	sld [smem:$0x3FAE];
	_ =	sdelay $0x3  }
0x33: {  	p0 =	seq.s32 s10, $0x1;
	s10 =	sld [smem:$0x3FB0];
	_ =	sdelay $0x3  }
0x34: {  	[smem:$0x3FB0] =	sst s10  }
0x35: {  	s10 =	sld [smem:$0x3FAF];
	_ =	sdelay $0x3  }
0x36: {  	p1 =	seq.s32 s10, $0x1;
	s10 =	sld [smem:$0x3FB0];
	_ =	sdelay $0x3  }
0x37: {  	[smem:$0x3FB0] =	sst s10  }
0x38: {  	s10 =	sld [smem:$0x3FB1]  }
0x39: {  	_ = 	snop;
	(pc) =	sbr.ind lr, $3  }
0x3a: {  	_ = 	snop  }
0x3b: {  	_ = 	snop  }
0x3c: {  	p2 =	seq.s32 s10, $0x1;
	s10 =	sld [smem:$0x3FB0]  }
0x3d: {  	_ =	shalt  }
0x3e: {  	_ =	shalt  }
0x3f: {  	_ =	shalt  }
0x40: {  	_ =	shalt  }
0x41: {  	_ =	shalt  }
0x42: {  	_ =	shalt  }
0x43: {  	_ =	shalt  }
0x44: {  	_ =	shalt  }
0x45: {  	_ =	shalt  }
0x46: {  	_ =	shalt  }
0x47: {  	_ =	shalt  }
0x48: {  	_ =	shalt  }
0x49: {  	_ =	shalt  }
0x4a: {  	_ =	shalt  }
0x4b: {  	_ =	shalt  }
0x4c: {  	_ =	shalt  }
0x4d: {  	_ =	shalt  }
0x4e: {  	_ =	shalt  }
0x4f: {  	_ =	shalt  }
0x50: {  	_ =	shalt  }
0x51: {  	_ =	shalt  }
0x52: {  	_ =	shalt  }
0x53: {  	_ =	shalt  }
0x54: {  	_ =	shalt  }
0x55: {  	_ =	shalt  }
0x56: {  	_ =	shalt  }
0x57: {  	_ =	shalt  }
0x58: {  	_ =	shalt  }
0x59: {  	_ =	shalt  }
0x5a: {  	_ =	shalt  }
0x5b: {  	_ =	shalt  }
0x5c: {  	_ =	shalt  }
0x5d: {  	_ =	shalt  }
0x5e: {  	_ =	shalt  }
0x5f: {  	_ =	shalt  }
0x60: {  	_ =	shalt  }
0x61: {  	_ =	shalt  }
0x62: {  	_ =	shalt  }
0x63: {  	_ =	shalt  }
0x64: {  	_ =	shalt  }
0x65: {  	_ =	shalt  }
0x66: {  	_ =	shalt  }
0x67: {  	_ =	shalt  }
0x68: {  	_ =	shalt  }
0x69: {  	_ =	shalt  }
0x6a: {  	_ =	shalt  }
0x6b: {  	_ =	shalt  }
0x6c: {  	_ =	shalt  }
0x6d: {  	_ =	shalt  }
0x6e: {  	_ =	shalt  }
0x6f: {  	_ =	shalt  }
0x70: {  	_ =	shalt  }
0x71: {  	_ =	shalt  }
0x72: {  	_ =	shalt  }
0x73: {  	_ =	shalt  }
0x74: {  	_ =	shalt  }
0x75: {  	_ =	shalt  }
0x76: {  	_ =	shalt  }
0x77: {  	_ =	shalt  }
0x78: {  	_ =	shalt  }
0x79: {  	_ =	shalt  }
0x7a: {  	_ =	shalt  }
0x7b: {  	_ =	shalt  }
0x7c: {  	_ =	shalt  }
0x7d: {  	_ =	shalt  }
0x7e: {  	_ =	shalt  }
0x7f: {  	_ =	shalt  }
0x80: {  	_ =	shalt  }
0x81: {  	_ =	shalt  }
0x82: {  	_ =	shalt  }
0x83: {  	_ =	shalt  }
0x84: {  	_ =	shalt  }
0x85: {  	_ =	shalt  }
0x86: {  	_ =	shalt  }
0x87: {  	_ =	shalt  }
.Lfunc_end0:
.L_simem_size_0:
called_computation_lowered:
.L_overlay_start_0:
0x88: {  	s2 =	sld [smem:$0x3FD9]  }
0x89: {  	s3 =	sld [smem:$0x3FFE];
	_ =	sdelay $0x1  }
0x8a: {  	s1 =	srdreg.scid  }
0x8b: {  	s0 =	sand.u32 $0x1, s1  }
0x8c: {  	s16 =	sshll.u32 s0, $0xA;
	s2 =	sadd.s32 s3, s2  }
0x8d: {  	s2 =	sadd.s32 s2, s16  }
0x8e: {  	[smem:$0x3FBC] =	sst s2  }
0x8f: {  	_ = 	snop  }
0x90: {  	(tm) =	ssettm $0x1  }
0x91: {  	s17 =	sld [smem:$0x3FFB];
	_ =	sdelay $0x3  }
0x92: {  	_ =	strace s17  }
0x93: {  	s2 =	sld [smem:$0x3FFC];
	_ =	sdelay $0x3  }
0x94: {  	_ =	strace s2  }
0x95: {  	s2 =	sld [smem:$0x3FFD];
	_ =	sdelay $0x3  }
0x96: {  	_ =	strace s2  }
0x97: {  	_ =	strace $0x8FFFFFFF  }
0x98: {  	s18 =	sld [smem:$0x3FDB];
	_ =	sdelay $0x1  }
0x99: {  	s19 =	simm.s32 $_scs_section_size  }
0x9a: {  	s4 =	simm.s32 $_size__tile_overlayer_lowered;
	s5 =	simm.s32 $_tile_overlayer_lowered  }
0x9b: {  	s22 =	simm.s32 $0x1BFF;
	s21 =	sshll.u32 s5, $0x1;
	s2 =	sadd.s32 s19, s18  }
0x9c: {  	s6 =	simm.s32 $0x0;
	s20 =	sshll.u32 s4, $0x1;
	s4 =	sadd.s32 s21, s2  }
0x9d: {  	[timem:s6], [sflag:s22] =	dma.local [hbm:s4], s20  }
0x9e: {  	_ =	swait.ge [sflag:s22], s20  }
0x9f: {  	s3 =	ssub.s32 $0x0, s20;
	[sflag:s22] =	ssyncset.done $0x0  }
0xa0: {  	[sflag:s22] =	ssyncadd.s32 s3;
	_ =	sdelay $0x1  }
0xa1: {  	s23 =	simm.s32 $0x1B8B  }
0xa2: {  	_ =	swait.ge [sflag:s23], $0x1  }
0xa3: {  	[sflag:s23] =	ssyncset.done $0x0  }
0xa4: {  	s25 =	simm.s32 $0x1B8E;
	s24 =	sld [smem:$0x3FFE];
	[sflag:s23] =	ssyncadd.s32 $0xFFFFFFFF  }
0xa5: {  	s26 =	simm.s32 $execute0_lowered;
	[smem:$0x3FD2] =	sst s25  }
0xa6: {  	s4 =	sshll.u32 s26, $0x1;
	_ =	strace $0x80000046;
	[dreg:$0x1] =	wrdreg $0xFFFFFFFF  }
0xa7: {  	s28 =	simm.s32 $_size_execute0_lowered;
	s2 =	sadd.s32 s2, s4;
	[dreg:$0x0] =	wrdreg $0x0  }
0xa8: {  	s4 =	sshll.u32 s28, $0x1;
	[dreg:$0x2] =	wrdreg s2  }
0xa9: {  	[dreg:$0x3] =	wrdreg s4  }
0xaa: {  	[dreg:$0x4] =	wrdreg $0xC0  }
0xab: {  	_ =	task [dreg:s6], $0x5FFFF  }
0xac: {  	[dreg:$0x1] =	wrdreg $0xFFFFFFFF  }
0xad: {  	[dreg:$0x0] =	wrdreg $0x60  }
0xae: {  	[dreg:$0x2] =	wrdreg s24  }
0xaf: {  	[dreg:$0x3] =	wrdreg $0x9  }
0xb0: {  	_ =	task.clear_ibuf [dreg:s6], $0x4FFFF;
	_ =	strace $0x90000046  }
0xb1: {  	s29 =	simm.s32 $0x9;
	_ =	strace $0x80000048  }
0xb2: {  	_ =	swait.ge [sflag:s29], $0x1  }
0xb3: {  	[sflag:s29] =	ssyncadd.s32 $0xFFFFFFFF  }
0xb4: {  	_ =	strace $0x90000048  }
0xb5: {  	_ =	sfence  }
0xb6: {  	s30 =	sld [smem:$0x0];
	_ =	sdelay $0x2  }
0xb7: {  	s31 =	sshll.u32 s1, $0xD;
	s1 =	sshrl.u32 s1, $0x2  }
0xb8: {  	s3 =	sand.u32 $0x4000, s31;
	s1 =	sadd.s32 s1, s30  }
0xb9: {  	s0 =	sor.u32 s3, s0;
	s1 =	sshll.u32 s1, $0x11  }
0xba: {  	s0 =	sor.u32 s1, s0  }
0xbb: {  	s0 =	sadd.s32 $0x8F2B, s0  }
0xbc: {  	[sflag:s0] =	ssyncadd.remote.s32 $0x1  }
0xbd: {  	_ =	sfence.sel $0xFFFF  }
0xbe: {  	[dreg:$0x0] =	wrdreg $0xFFFFFFFF;
	(pc) =	sbr.abs _section_cstart, $3  }
0xbf: {  	[dreg:$0x1] =	wrdreg $0xFFFFFFFF  }
0xc0: {  	_ =	task.clear_ibuf [dreg:s6], $0x2FFFF;
	_ =	strace $0x9FFFFFFF  }
0xc1: {  	(tm) =	ssettm $0x7FFFFFFF  }
tec
execute0_lowered:
.L_overlay_start_1:
0x0: {  	(tag) =	ssettag $0x1  }
0x1: {  	s1 =	srdreg.scid  }
0x2: {  	s0 =	stileid.u32;
	s3 =	rddreg [dreg:$0x0];
	s10 =	simm.s32 $0x1  }
0x3: {  	s11 =	simm.s32 $0x800;
	s12 =	simm.s32 $0x80;
	s13 =	simm.s32 $0x400  }
0x4: {  	s4 =	sand.u32 $0x1, s1;
	s2 =	sshll.u32 s0, $0x1;
	s1 =	rddreg [dreg:$0x1]  }
0x5: {  	s6 =	sshrl.u32 s0, $0x2;
	s5 =	sor.u32 s4, s2;
	s2 =	simm.s32 $0x0  }
0x6: {  	s6 =	smul.u32 $0x13C00, s6;
	s4 =	ssub.s32 $0x2, s4;
	s7 =	sshll.u32 s5, $0x7  }
0x7: {  	[smem:$0x7FF] =	sst s2;
	s5 =	smul.u32 $0x2710, s5;
	s7 =	sand.u32 $0x380, s7  }
0x8: {  	s31 =	sshrl.u32 s4, $0x1;
	_ =	strace $0x80000047;
	s6 =	sor.u32 s6, s7  }
0x9: {  	s4 =	ssub.s32 s4, s31;
	s5 =	sshrl.u32 s5, $0x3;
	s6 =	sshrl.u32 s6, $0x3  }
0xa: {  	s4 =	smax.u32 s4, $0x1;
	s9 =	sadd.s32 s5, s3;
	s6 =	sadd.s32 s6, s3  }
0xb: {  	s5 =	sadd.s32 $0xA00, s9;
	s7 =	sadd.s32 $0xBF4, s9;
	s8 =	sadd.s32 $0xCEE, s9  }
0xc: {  	v0 =	vimm.f32 $0.0e+00;
	v1 =	vimm.f32 $1.000000000e+00;
	s3 =	sadd.s32 $0xA800, s6;
	s6 =	sadd.s32 $0xAFA, s9;
	s9 =	sadd.s32 $0xDE8, s9  }
.LBB2_1:
0xd: {  	s14 =	simm.s32 $0x40;
	s15 =	simm.s32 $0x0  }
.LBB2_2:
0xe: {  	p0 =	sne.s32 s14, $0x9C00;
	[tilespmem:s15+$0x800] =	vst v0;
	s15 =	smov.u32 s14;
	s14 =	sadd.s32 $0x40, s14  }
.Ltmp0:
0xf: {  	(pc) =	sbr.rel @p0 .LBB2_2-.Ltmp0, $2  }
0x10: {  	_ =	sdelay $0x2  }
0x11: {  	s15 =	sshra.s32 s15, $0x2  }
0x12: {  	[tilespmem:s15+$0x800] =	vst v0;
	s14 =	simm.s32 $0x0  }
0x13: {  	[tilespmem:s14], [sflag:$0x1] =	stream.linear.gather [hbm4b:s5+s14], $0x7D0, $0x38;
	[tilespmem:$0x2F80] =	vst v63  }
0x14: {  	_ =	swait.ge [sflag:s10], $0x7D0  }
0x15: {  	[sflag:s10] =	ssyncset.done $0x0  }
0x16: {  	s15 =	simm.s32 $0x0;
	s14 =	simm.s32 $0x40;
	[sflag:s10] =	ssyncadd.s32 $0xFFFFF830  }
.LBB2_4:
0x17: {  	p0 =	sne.s32 s14, $0x1F00;
	v2 =	vld [tilespmem:s15+$0x0];
	_ =	sdelay $0x3  }
.Ltmp1:
0x18: {  	(pc) =	sbr.rel @p0 .LBB2_4-.Ltmp1, $2  }
0x19: {  	_ =	sdelay $0x2  }
0x1a: {  	s15 =	sshra.s32 s14, $0x2;
	s14 =	sadd.s32 $0x40, s14;
	[tilespmem:v2+s11+$0x0] =	vst.idx.add.f32.msk $0xffff, v1  }
0x1b: {  	v2 =	vld [tilespmem:s15+$0x0];
	_ =	sdelay $0x7  }
0x1c: {  	s14 =	simm.s32 $0x0;
	[tilespmem:v2+s11+$0x0] =	vst.idx.add.f32.msk $0xffff, v1  }
0x1d: {  	[tilespmem:s14], [sflag:$0x1] =	stream.linear.gather [hbm4b:s6+s14], $0x7D0, $0x38;
	[tilespmem:$0x2F80] =	vst v63  }
0x1e: {  	_ =	swait.ge [sflag:s10], $0x7D0  }
0x1f: {  	[sflag:s10] =	ssyncset.done $0x0  }
0x20: {  	s15 =	simm.s32 $0x0;
	s14 =	simm.s32 $0x40;
	[sflag:s10] =	ssyncadd.s32 $0xFFFFF830  }
.LBB2_6:
0x21: {  	p0 =	sne.s32 s14, $0x1F00;
	v2 =	vld [tilespmem:s15+$0x0];
	_ =	sdelay $0x3  }
.Ltmp2:
0x22: {  	(pc) =	sbr.rel @p0 .LBB2_6-.Ltmp2, $2  }
0x23: {  	_ =	sdelay $0x2  }
0x24: {  	s15 =	sshra.s32 s14, $0x2;
	s14 =	sadd.s32 $0x40, s14;
	[tilespmem:v2+s11+$0x0] =	vst.idx.add.f32.msk $0xffff, v1  }
0x25: {  	v2 =	vld [tilespmem:s15+$0x0];
	_ =	sdelay $0x7  }
0x26: {  	s14 =	simm.s32 $0x0;
	[tilespmem:v2+s11+$0x0] =	vst.idx.add.f32.msk $0xffff, v1  }
0x27: {  	[tilespmem:s14], [sflag:$0x1] =	stream.linear.gather [hbm4b:s7+s14], $0x7D0, $0x38;
	[tilespmem:$0x2F80] =	vst v63  }
0x28: {  	_ =	swait.ge [sflag:s10], $0x7D0  }
0x29: {  	[sflag:s10] =	ssyncset.done $0x0  }
0x2a: {  	s15 =	simm.s32 $0x0;
	s14 =	simm.s32 $0x40;
	[sflag:s10] =	ssyncadd.s32 $0xFFFFF830  }
.LBB2_8:
0x2b: {  	p0 =	sne.s32 s14, $0x1F00;
	v2 =	vld [tilespmem:s15+$0x0];
	_ =	sdelay $0x3  }
.Ltmp3:
0x2c: {  	(pc) =	sbr.rel @p0 .LBB2_8-.Ltmp3, $2  }
0x2d: {  	_ =	sdelay $0x2  }
0x2e: {  	s15 =	sshra.s32 s14, $0x2;
	s14 =	sadd.s32 $0x40, s14;
	[tilespmem:v2+s11+$0x0] =	vst.idx.add.f32.msk $0xffff, v1  }
0x2f: {  	v2 =	vld [tilespmem:s15+$0x0];
	_ =	sdelay $0x7  }
0x30: {  	s14 =	simm.s32 $0x0;
	[tilespmem:v2+s11+$0x0] =	vst.idx.add.f32.msk $0xffff, v1  }
0x31: {  	[tilespmem:s14], [sflag:$0x1] =	stream.linear.gather [hbm4b:s8+s14], $0x7D0, $0x38;
	[tilespmem:$0x2F80] =	vst v63  }
0x32: {  	_ =	swait.ge [sflag:s10], $0x7D0  }
0x33: {  	[sflag:s10] =	ssyncset.done $0x0  }
0x34: {  	s15 =	simm.s32 $0x0;
	s14 =	simm.s32 $0x40;
	[sflag:s10] =	ssyncadd.s32 $0xFFFFF830  }
.LBB2_10:
0x35: {  	p0 =	sne.s32 s14, $0x1F00;
	v2 =	vld [tilespmem:s15+$0x0];
	_ =	sdelay $0x3  }
.Ltmp4:
0x36: {  	(pc) =	sbr.rel @p0 .LBB2_10-.Ltmp4, $2  }
0x37: {  	_ =	sdelay $0x2  }
0x38: {  	s15 =	sshra.s32 s14, $0x2;
	s14 =	sadd.s32 $0x40, s14;
	[tilespmem:v2+s11+$0x0] =	vst.idx.add.f32.msk $0xffff, v1  }
0x39: {  	v2 =	vld [tilespmem:s15+$0x0];
	_ =	sdelay $0x7  }
0x3a: {  	s14 =	simm.s32 $0x0;
	[tilespmem:v2+s11+$0x0] =	vst.idx.add.f32.msk $0xffff, v1  }
0x3b: {  	[tilespmem:s14], [sflag:$0x1] =	stream.linear.gather [hbm4b:s9+s14], $0x7D0, $0x38;
	[tilespmem:$0x2F80] =	vst v63  }
0x3c: {  	_ =	swait.ge [sflag:s10], $0x7D0  }
0x3d: {  	[sflag:s10] =	ssyncset.done $0x0  }
0x3e: {  	s15 =	simm.s32 $0x0;
	s14 =	simm.s32 $0x40;
	[sflag:s10] =	ssyncadd.s32 $0xFFFFF830  }
.LBB2_12:
0x3f: {  	p0 =	sne.s32 s14, $0x1F00;
	v2 =	vld [tilespmem:s15+$0x0];
	_ =	sdelay $0x3  }
.Ltmp5:
0x40: {  	(pc) =	sbr.rel @p0 .LBB2_12-.Ltmp5, $2  }
0x41: {  	_ =	sdelay $0x2  }
0x42: {  	s15 =	sshra.s32 s14, $0x2;
	s14 =	sadd.s32 $0x40, s14;
	[tilespmem:v2+s11+$0x0] =	vst.idx.add.f32.msk $0xffff, v1  }
0x43: {  	v2 =	vld [tilespmem:s15+$0x0];
	_ =	sdelay $0x5  }
0x44: {  	s2 =	sadd.s32 $0x1, s2  }
0x45: {  	p0 =	sne.s32 s2, s4  }
.Ltmp6:
0x46: {  	[tilespmem:v2+s11+$0x0] =	vst.idx.add.f32.msk $0xffff, v1;
	(pc) =	sbr.rel @p0 .LBB2_1-.Ltmp6, $4  }
0x47: {  	[hbm4b:s3+s12] =	stream.strided.scatter [tilespmem:s11], [sflag:$0x1], $0x2780, s13, s12, $0x38;
	[tilespmem:$0x2F80] =	vst v63  }
0x48: {  	_ =	swait.ge [sflag:s10], $0x2780  }
0x49: {  	[sflag:s10] =	ssyncset.done $0x0  }
0x4a: {  	[sflag:s10] =	ssyncadd.s32 $0xFFFFD880  }
0x4b: {  	_ =	sfence.sel $0x180000  }
0x4c: {  	[bflag:$0x0] =	sbarrier.arrive $0xFFFF  }
0x4d: {  	p0 =	sne.s32 s0, $0x0;
	_ =	strace $0x90000047  }
0x4e: {  	s0 =	sadd.s32 @!p0 $0x100000, s1;
	[bflag:$0x2] =	sbarrier.arrive $0xFFFF  }
0x4f: {  	[sflag:s0] =	ssyncadd.tile.s32 @!p0 $0x1;
	_ =	shalt  }
.Lfunc_end2:
_tile_overlayer_lowered:
.L_overlay_start_2:
0x50: {  	(tag) =	ssettag $0x2  }
0x51: {  	s0 =	rddreg [dreg:$0x0];
	s2 =	stileid.u32  }
0x52: {  	s1 =	rddreg [dreg:$0x1];
	p0 =	sne.s32 s2, $0x0  }
0x53: {  	s3 =	rddreg [dreg:$0x2];
	[bflag:$0x3] =	sbarrier.arrive $0xFFFF;
	s2 =	simm.s32 @!p0 $0x1C01  }
0x54: {  	[timem:s3], [sflag:s2] =	dma.local @!p0 [hbm:s0], s1  }
0x55: {  	s0 =	simm.s32 @!p0 $0x1  }
0x56: {  	_ =	swait.ge @!p0 [sflag:s0], s1  }
0x57: {  	s1 =	ssub.s32 @!p0 $0x0, s1;
	[sflag:s0] =	ssyncset.done @!p0 $0x0  }
0x58: {  	[sflag:s0] =	ssyncadd.s32 @!p0 s1  }
0x59: {  	[bflag:$0x3] =	sbarrier.arrive $0xFFFF  }
0x5a: {  	_ =	shalt  }

// kernel: kernel.9.cloned.1.call-start
scs
__scs_entry_jumppad:
0x0: {  	(pc) =	sbr.rel $0x88, $3  }
0x1: {  	(tag) =	ssettag $0x0;
	lr =	simm.s32 $0x1  }
0x2: {  	[smem:$0x3F95] =	sst lr;
	_ =	strace $0xD0000000  }
0x3: {  	_ = 	snop  }
0x4: {  	_ = 	snop  }
0x5: {  	_ = 	snop  }
0x6: {  	_ = 	snop  }
0x7: {  	_ = 	snop  }
__scs_overlays_trampoline_lowered:
0x8: {  	[smem:$0x3FA4] =	sst s0  }
0x9: {  	[smem:$0x3FA5] =	sst s1  }
0xa: {  	[smem:$0x3FA6] =	sst s2  }
0xb: {  	[smem:$0x3FA7] =	sst s3  }
0xc: {  	[smem:$0x3FA8] =	sst s4  }
0xd: {  	[smem:$0x3FA9] =	sst s5  }
0xe: {  	[smem:$0x3FAA] =	sst s6  }
0xf: {  	[smem:$0x3FAB] =	sst s7  }
0x10: {  	[smem:$0x3FAC] =	sst s8  }
0x11: {  	[smem:$0x3FAD] =	sst s9;
	s0 =	simm.s32 @!p0 $0x0  }
0x12: {  	s1 =	sld [smem:$0x3F93];
	s0 =	simm.s32 @p0 $0x1  }
0x13: {  	[smem:$0x3FAE] =	sst s0;
	s0 =	simm.s32 @!p1 $0x0  }
0x14: {  	s2 =	sld [smem:$0x3F92];
	s0 =	simm.s32 @p1 $0x1  }
0x15: {  	[smem:$0x3FAF] =	sst s0;
	s0 =	simm.s32 @!p2 $0x0  }
0x16: {  	s3 =	sld [smem:$0x3FDB];
	s0 =	simm.s32 @p2 $0x1  }
0x17: {  	s4 =	simm.s32 $0x1BF5;
	[smem:$0x3FB1] =	sst s0  }
0x18: {  	s0 =	sld [smem:$0x3F94];
	_ =	swait.ge [sflag:s4], $0x0  }
0x19: {  	s7 =	sld [smem:$0x3F95]  }
0x1a: {  	s8 =	sadd.s32 $0xFFFFE003, lr  }
0x1b: {  	s9 =	sadd.s32 $0xFFFFFEF7, lr;
	s5 =	simm.s32 $0xFFFFFFFF;
	p2 =	slt.u32 s8, $0xFFFFF086  }
0x1c: {  	p1 =	slt.u32 s9, $0xF7A;
	s5 =	simm.s32 @!p2 $0x0  }
0x1d: {  	s5 =	simm.s32 @p1 $0x1;
	p0 =	seq.s32 s7, s2  }
0x1e: {  	s7 =	smul.u32 @!p0 $0xF7A, s2;
	p2 =	seq.s32 @!p0 s5, $0x0  }
0x1f: {  	s9 =	smul.u32 $0xF7A, s1;
	s8 =	simm.s32 @!p0 $0x1BF5;
	p2 =	por !p2, p0  }
0x20: {  	[sflag:s8] =	ssyncset.s32 @!p0 $0xFFFFF086;
	s6 =	sadd.s32 @!p0 s3, s7;
	s7 =	simm.s32 @!p0 $0x108  }
0x21: {  	s3 =	sadd.s32 s3, s9;
	s6 =	sadd.s32 @!p0 $0x88, s6;
	s7 =	simm.s32 @p2 $0x1082  }
0x22: {  	[simem:s7], [sflag:s8] =	dma.local @!p0 [hbm:s6], $0xF7A  }
0x23: {  	s9 =	sor.u32 $0xD0000000, s2;
	s6 =	simm.s32 $0x108;
	_ =	swait.ge @!p0 [sflag:s8], $0x0  }
0x24: {  	s3 =	sadd.s32 $0x88, s3;
	s6 =	simm.s32 @!p1 $0x1082;
	[sflag:s4] =	ssyncset.s32 $0xFFFFF086  }
0x25: {  	[simem:s6], [sflag:s4] =	dma.local [hbm:s3], $0xF7A  }
0x26: {  	[smem:$0x3F95] =	sst s1;
	(tag) =	ssettag s2;
	_ =	strace s9  }
0x27: {  	s1 =	sld [smem:$0x3FA5]  }
0x28: {  	s2 =	sld [smem:$0x3FA6]  }
0x29: {  	s4 =	sld [smem:$0x3FA8]  }
0x2a: {  	p0 =	seq.s32 s5, $0x0;
	s5 =	sld [smem:$0x3FA9]  }
0x2b: {  	s6 =	sld [smem:$0x3FAA]  }
0x2c: {  	s7 =	sld [smem:$0x3FAB]  }
0x2d: {  	s3 =	simm.s32 $0x108;
	s8 =	sld [smem:$0x3FAC]  }
0x2e: {  	s3 =	simm.s32 @!p0 $0x1082;
	s9 =	sld [smem:$0x3FAD]  }
0x2f: {  	lr =	sadd.s32 s0, s3;
	s0 =	sld [smem:$0x3FA4]  }
0x30: {  	s3 =	sld [smem:$0x3FA7]  }
0x31: {  	[smem:$0x3FB0] =	sst s10  }
0x32: {  	s10 =	sld [smem:$0x3FAE];
	_ =	sdelay $0x3  }
0x33: {  	p0 =	seq.s32 s10, $0x1;
	s10 =	sld [smem:$0x3FB0];
	_ =	sdelay $0x3  }
0x34: {  	[smem:$0x3FB0] =	sst s10  }
0x35: {  	s10 =	sld [smem:$0x3FAF];
	_ =	sdelay $0x3  }
0x36: {  	p1 =	seq.s32 s10, $0x1;
	s10 =	sld [smem:$0x3FB0];
	_ =	sdelay $0x3  }
0x37: {  	[smem:$0x3FB0] =	sst s10  }
0x38: {  	s10 =	sld [smem:$0x3FB1]  }
0x39: {  	_ = 	snop;
	(pc) =	sbr.ind lr, $3  }
0x3a: {  	_ = 	snop  }
0x3b: {  	_ = 	snop  }
0x3c: {  	p2 =	seq.s32 s10, $0x1;
	s10 =	sld [smem:$0x3FB0]  }
0x3d: {  	_ =	shalt  }
0x3e: {  	_ =	shalt  }
0x3f: {  	_ =	shalt  }
0x40: {  	_ =	shalt  }
0x41: {  	_ =	shalt  }
0x42: {  	_ =	shalt  }
0x43: {  	_ =	shalt  }
0x44: {  	_ =	shalt  }
0x45: {  	_ =	shalt  }
0x46: {  	_ =	shalt  }
0x47: {  	_ =	shalt  }
0x48: {  	_ =	shalt  }
0x49: {  	_ =	shalt  }
0x4a: {  	_ =	shalt  }
0x4b: {  	_ =	shalt  }
0x4c: {  	_ =	shalt  }
0x4d: {  	_ =	shalt  }
0x4e: {  	_ =	shalt  }
0x4f: {  	_ =	shalt  }
0x50: {  	_ =	shalt  }
0x51: {  	_ =	shalt  }
0x52: {  	_ =	shalt  }
0x53: {  	_ =	shalt  }
0x54: {  	_ =	shalt  }
0x55: {  	_ =	shalt  }
0x56: {  	_ =	shalt  }
0x57: {  	_ =	shalt  }
0x58: {  	_ =	shalt  }
0x59: {  	_ =	shalt  }
0x5a: {  	_ =	shalt  }
0x5b: {  	_ =	shalt  }
0x5c: {  	_ =	shalt  }
0x5d: {  	_ =	shalt  }
0x5e: {  	_ =	shalt  }
0x5f: {  	_ =	shalt  }
0x60: {  	_ =	shalt  }
0x61: {  	_ =	shalt  }
0x62: {  	_ =	shalt  }
0x63: {  	_ =	shalt  }
0x64: {  	_ =	shalt  }
0x65: {  	_ =	shalt  }
0x66: {  	_ =	shalt  }
0x67: {  	_ =	shalt  }
0x68: {  	_ =	shalt  }
0x69: {  	_ =	shalt  }
0x6a: {  	_ =	shalt  }
0x6b: {  	_ =	shalt  }
0x6c: {  	_ =	shalt  }
0x6d: {  	_ =	shalt  }
0x6e: {  	_ =	shalt  }
0x6f: {  	_ =	shalt  }
0x70: {  	_ =	shalt  }
0x71: {  	_ =	shalt  }
0x72: {  	_ =	shalt  }
0x73: {  	_ =	shalt  }
0x74: {  	_ =	shalt  }
0x75: {  	_ =	shalt  }
0x76: {  	_ =	shalt  }
0x77: {  	_ =	shalt  }
0x78: {  	_ =	shalt  }
0x79: {  	_ =	shalt  }
0x7a: {  	_ =	shalt  }
0x7b: {  	_ =	shalt  }
0x7c: {  	_ =	shalt  }
0x7d: {  	_ =	shalt  }
0x7e: {  	_ =	shalt  }
0x7f: {  	_ =	shalt  }
0x80: {  	_ =	shalt  }
0x81: {  	_ =	shalt  }
0x82: {  	_ =	shalt  }
0x83: {  	_ =	shalt  }
0x84: {  	_ =	shalt  }
0x85: {  	_ =	shalt  }
0x86: {  	_ =	shalt  }
0x87: {  	_ =	shalt  }
.Lfunc_end0:
.L_simem_size_0:
called_computation.1_lowered:
.L_overlay_start_0:
0x88: {  	s2 =	sld [smem:$0x3FD9]  }
0x89: {  	s3 =	sld [smem:$0x3FFE];
	_ =	sdelay $0x1  }
0x8a: {  	s1 =	srdreg.scid  }
0x8b: {  	s0 =	sand.u32 $0x1, s1  }
0x8c: {  	s17 =	sshll.u32 s0, $0xA;
	s2 =	sadd.s32 s3, s2  }
0x8d: {  	s2 =	sadd.s32 s2, s17  }
0x8e: {  	[smem:$0x3FBC] =	sst s2  }
0x8f: {  	_ = 	snop  }
0x90: {  	s2 =	sld [smem:$0x3FD0];
	(tm) =	ssettm $0x1  }
0x91: {  	s18 =	sld [smem:$0x3FFB];
	_ =	sdelay $0x3  }
0x92: {  	_ =	strace s18  }
0x93: {  	s3 =	sld [smem:$0x3FFC];
	_ =	sdelay $0x3  }
0x94: {  	_ =	strace s3  }
0x95: {  	s3 =	sld [smem:$0x3FFD];
	_ =	sdelay $0x3  }
0x96: {  	_ =	strace s3  }
0x97: {  	_ =	strace $0x8FFFFFFF  }
0x98: {  	s19 =	sld [smem:$0x3FDB];
	_ =	sdelay $0x1  }
0x99: {  	s4 =	simm.s32 $_scs_section_size  }
0x9a: {  	s5 =	simm.s32 $_size__tile_overlayer_lowered;
	s6 =	simm.s32 $_tile_overlayer_lowered  }
0x9b: {  	s22 =	simm.s32 $0x1BFF;
	s21 =	sshll.u32 s6, $0x1;
	s3 =	sadd.s32 s4, s19  }
0x9c: {  	s7 =	simm.s32 $0x0;
	s20 =	sshll.u32 s5, $0x1;
	s5 =	sadd.s32 s21, s3  }
0x9d: {  	[timem:s7], [sflag:s22] =	dma.local [hbm:s5], s20  }
0x9e: {  	_ =	swait.ge [sflag:s22], s20  }
0x9f: {  	s4 =	ssub.s32 $0x0, s20;
	[sflag:s22] =	ssyncset.done $0x0  }
0xa0: {  	[sflag:s22] =	ssyncadd.s32 s4;
	_ =	sdelay $0x1  }
0xa1: {  	s23 =	simm.s32 $0x1B8B  }
0xa2: {  	_ =	swait.ge [sflag:s23], $0x1  }
0xa3: {  	[sflag:s23] =	ssyncset.done $0x0  }
0xa4: {  	s25 =	simm.s32 $0x1B8E;
	s24 =	sld [smem:$0x3FFE];
	[sflag:s23] =	ssyncadd.s32 $0xFFFFFFFF  }
0xa5: {  	s26 =	simm.s32 $execute0_lowered;
	[smem:$0x3FD2] =	sst s25  }
0xa6: {  	s5 =	sshll.u32 s26, $0x1;
	_ =	strace $0x80000049;
	[dreg:$0x1] =	wrdreg $0xFFFFFFFF  }
0xa7: {  	s28 =	simm.s32 $_size_execute0_lowered;
	s3 =	sadd.s32 s3, s5;
	[dreg:$0x0] =	wrdreg $0x0  }
0xa8: {  	s5 =	sshll.u32 s28, $0x1;
	[dreg:$0x2] =	wrdreg s3  }
0xa9: {  	[dreg:$0x3] =	wrdreg s5  }
0xaa: {  	[dreg:$0x4] =	wrdreg $0xC0  }
0xab: {  	_ =	task [dreg:s7], $0x5FFFF  }
0xac: {  	[dreg:$0x1] =	wrdreg $0xFFFFFFFF  }
0xad: {  	[dreg:$0x0] =	wrdreg $0x60  }
0xae: {  	[dreg:$0x2] =	wrdreg s2  }
0xaf: {  	[dreg:$0x3] =	wrdreg s24  }
0xb0: {  	[dreg:$0x4] =	wrdreg $0x83000  }
0xb1: {  	[dreg:$0x5] =	wrdreg $0x9  }
0xb2: {  	_ =	task.clear_ibuf [dreg:s7], $0x6FFFF;
	_ =	strace $0x90000049  }
0xb3: {  	s29 =	simm.s32 $0x9;
	_ =	strace $0x8000004B  }
0xb4: {  	_ =	swait.ge [sflag:s29], $0x1  }
0xb5: {  	[sflag:s29] =	ssyncadd.s32 $0xFFFFFFFF  }
0xb6: {  	_ =	strace $0x9000004B  }
0xb7: {  	_ =	sfence  }
0xb8: {  	s30 =	sld [smem:$0x0];
	_ =	sdelay $0x2  }
0xb9: {  	s31 =	sshll.u32 s1, $0xD;
	s1 =	sshrl.u32 s1, $0x2  }
0xba: {  	s3 =	sand.u32 $0x4000, s31;
	s1 =	sadd.s32 s1, s30  }
0xbb: {  	s0 =	sor.u32 s3, s0;
	s1 =	sshll.u32 s1, $0x11  }
0xbc: {  	s0 =	sor.u32 s1, s0  }
0xbd: {  	s0 =	sadd.s32 $0x8F2B, s0  }
0xbe: {  	[sflag:s0] =	ssyncadd.remote.s32 $0x1  }
0xbf: {  	_ =	sfence.sel $0xFFFF  }
0xc0: {  	[dreg:$0x0] =	wrdreg $0xFFFFFFFF;
	(pc) =	sbr.abs _section_cstart, $3  }
0xc1: {  	[dreg:$0x1] =	wrdreg $0xFFFFFFFF  }
0xc2: {  	_ =	task.clear_ibuf [dreg:s7], $0x2FFFF;
	_ =	strace $0x9FFFFFFF  }
0xc3: {  	(tm) =	ssettm $0x7FFFFFFF  }
tec
execute0_lowered:
.L_overlay_start_1:
0x0: {  	(tag) =	ssettag $0x1  }
0x1: {  	s1 =	rddreg [dreg:$0x0]  }
0x2: {  	s0 =	rddreg [dreg:$0x1]  }
0x3: {  	s2 =	rddreg [dreg:$0x2];
	s4 =	simm.s32 $0x0;
	s3 =	srdreg.scid  }
0x4: {  	s12 =	stileid.u32;
	s18 =	simm.s32 $0x7;
	s28 =	simm.s32 $0x1  }
0x5: {  	s29 =	simm.s32 $0x2;
	s30 =	simm.s32 $0x180;
	s31 =	simm.s32 $0x0  }
0x6: {  	[smem:$0x7FF] =	sst s4;
	s3 =	sand.u32 $0x1, s3;
	s5 =	sadd.s32 $0x1E800, s0  }
0x7: {  	s8 =	smul.u32 $0x13C00, s12;
	s6 =	sadd.s32 $0x14800, s0;
	s9 =	sadd.s32 $0xA00, s0  }
0x8: {  	s20 =	sshll.u32 s12, $0x1;
	s10 =	smul.u32 $0x4E200, s12;
	s22 =	sshll.u32 s12, $0x6  }
0x9: {  	s7 =	smul.u32 $0x13C000, s3;
	_ =	strace $0x8000004A;
	[dreg:$0x4] =	wrdreg s9  }
0xa: {  	s9 =	sor.u32 s3, s20;
	s3 =	ssub.s32 $0x2, s3;
	s20 =	simm.s32 $0x80  }
0xb: {  	s11 =	sshrl.u32 s3, $0x1;
	s7 =	sadd.s32 s8, s7;
	s8 =	smul.u32 $0x5000, s9  }
0xc: {  	s10 =	sshrl.u32 s10, $0x2;
	s9 =	smul.u32 $0x2800, s9;
	s3 =	ssub.s32 s3, s11  }
0xd: {  	s21 =	sadd.s32 s10, s2;
	s10 =	sor.u32 $0x1C07, s22;
	s22 =	simm.s32 $0x100  }
0xe: {  	s7 =	sshrl.u32 s7, $0x3;
	s26 =	smax.u32 s3, $0x1;
	s17 =	sshrl.u32 s21, $0x3  }
0xf: {  	s21 =	simm.s32 $0x300;
	s0 =	sadd.s32 s7, s0;
	s23 =	sshrl.u32 s8, $0x3  }
.Ltmp0:
0x10: {  	s24 =	sshrl.u32 s9, $0x3;
	[dreg:$0x8] =	wrdreg s26;
	(pc) =	sbr.rel .LBB2_1-.Ltmp0, $4  }
0x11: {  	s26 =	simm.s32 $0x4300;
	s11 =	sadd.s32 s5, s23;
	s0 =	sadd.s32 $0x32800, s0  }
0x12: {  	s12 =	sadd.s32 s6, s24;
	s13 =	sadd.s32 $0x20, s11;
	[dreg:$0x7] =	wrdreg s0  }
0x13: {  	s23 =	simm.s32 $0x280;
	s25 =	sadd.s32 $0x10, s12;
	[dreg:$0x5] =	wrdreg s13  }
0x14: {  	s24 =	simm.s32 $0x4;
	[dreg:$0x6] =	wrdreg s25;
	s25 =	simm.s32 $0x6  }
.LBB2_12:
0x15: {  	[bflag:$0x0] =	sbarrier.arrive $0xFFFF  }
0x16: {  	s0 =	rddreg [dreg:$0x7]  }
0x17: {  	[hbm:s0], [sflag:s10] =	dma.local [spmem:s17], $0x2710  }
0x18: {  	_ =	swait.ge [sflag:s18], $0x2710  }
0x19: {  	s31 =	sadd.s32 $0x1, s31;
	s19 =	rddreg [dreg:$0x8]  }
0x1a: {  	p0 =	sne.s32 s31, s19  }
.Ltmp1:
0x1b: {  	_ = 	snop;
	(pc) =	sbr.rel @!p0 .LBB2_13-.Ltmp1, $3  }
0x1c: {  	_ =	sdelay $0x1  }
0x1d: {  	[sflag:s18] =	ssyncset.done $0x0  }
0x1e: {  	[sflag:s18] =	ssyncadd.s32 $0xFFFFD8F0  }
.LBB2_1:
0x1f: {  	s0 =	rddreg [dreg:$0x4]  }
0x20: {  	[spmem:s17], [sflag:s10] =	dma.local [hbm:s0], $0x2710  }
0x21: {  	_ =	swait.ge [sflag:s18], $0x2710  }
0x22: {  	[sflag:s18] =	ssyncset.done $0x0  }
0x23: {  	[sflag:s18] =	ssyncadd.s32 $0xFFFFD8F0  }
0x24: {  	[bflag:$0x0] =	sbarrier.arrive $0xFFFF  }
0x25: {  	[tilespmem:s4], [sflag:$0x7] =	stream.linear.gather [hbm4b:s11+s4], $0x100, $0x38;
	[tilespmem:$0x1BB80] =	vst v63  }
0x26: {  	_ =	swait.ge [sflag:s18], $0x100  }
0x27: {  	[sflag:s18] =	ssyncset.done $0x0  }
0x28: {  	s15 =	simm.s32 $0x200;
	[sflag:s18] =	ssyncadd.s32 $0xFFFFFF00  }
0x29: {  	[tilespmem:s15], [sflag:$0x7] =	stream.linear.gather [hbm4b:s12+s4], $0x80, $0x38;
	[tilespmem:$0x1BB80] =	vst v63  }
0x2a: {  	_ =	swait.ge [sflag:s18], $0x80  }
0x2b: {  	[sflag:s18] =	ssyncset.done $0x0  }
0x2c: {  	[sflag:s18] =	ssyncadd.s32 $0xFFFFFF80  }
0x2d: {  	[tilespmem:s21], [sflag:$0x1] =	stream.indirect.gather [hbm4b:s1+s20], $0x80, s4, s20, $0xb8;
	[tilespmem:$0x1BB80] =	vst v63  }
0x2e: {  	s16 =	rddreg [dreg:$0x5]  }
0x2f: {  	[tilespmem:s22], [sflag:$0x4] =	stream.linear.gather [hbm4b:s16+s4], $0x100, $0x38;
	[tilespmem:$0x1BB80] =	vst v63  }
0x30: {  	s0 =	simm.s32 $0x0;
	s19 =	rddreg [dreg:$0x6]  }
0x31: {  	[tilespmem:s23], [sflag:$0x6] =	stream.linear.gather [hbm4b:s19+s4], $0x80, $0x38;
	[tilespmem:$0x1BB80] =	vst v63  }
.LBB2_2:
0x32: {  	_ =	swait.ge [sflag:s24], $0x100  }
0x33: {  	[sflag:s24] =	ssyncset.done $0x0  }
0x34: {  	[sflag:s24] =	ssyncadd.s32 $0xFFFFFF00  }
0x35: {  	_ =	swait.ge [sflag:s25], $0x80  }
0x36: {  	[sflag:s25] =	ssyncset.done $0x0  }
0x37: {  	[sflag:s25] =	ssyncadd.s32 $0xFFFFFF80  }
0x38: {  	[tilespmem:s26], [sflag:$0x2] =	stream.indirect.gather [hbm4b:s1+s20], $0x80, s22, s20, $0xb8;
	[tilespmem:$0x1BB80] =	vst v63  }
0x39: {  	_ =	swait.ge [sflag:s28], $0x4000  }
0x3a: {  	s3 =	simm.s32 $0x0;
	[sflag:s28] =	ssyncset.done $0x0  }
0x3b: {  	s19 =	simm.s32 $0x340;
	s7 =	simm.s32 $0x0;
	[sflag:s28] =	ssyncadd.s32 $0xFFFFC000  }
.LBB2_3:
0x3c: {  	s13 =	sshll.u32 s7, $0x4  }
0x3d: {  	v1 =	vld [tilespmem:s13+$0x200];
	_ =	sdelay $0x1  }
0x3e: {  	v5 =	vld [tilespmem:s19+$0xFFFFFFC0]  }
0x3f: {  	v7 =	vld [tilespmem:s19+$0xFFFFFFD0]  }
0x40: {  	v6 =	vld [tilespmem:s19+$0xFFFFFFE0];
	v0 =	vmov s3  }
0x41: {  	v3 =	vld [tilespmem:s19+$0x0];
	v0 =	vperm.xlane v1, v0  }
0x42: {  	v4 =	vld [tilespmem:s19+$0x10]  }
0x43: {  	v2 =	vld [tilespmem:s19+$0x20];
	v8 =	vmul.f32 v5, v0  }
0x44: {  	s14 =	simm.s32 $0x1;
	s15 =	smov.u32 s19;
	s13 =	smov.u32 s19;
	v7 =	vmul.f32 v7, v0;
	v5 =	vld [tilespmem:s19+$0x30]  }
.LBB2_4:
0x45: {  	p0 =	sne.s32 s14, $0xF;
	[tilespmem:s13+$0xFFFFFFC0] =	vst v8;
	v6 =	vmul.f32 v6, v0;
	v8 =	vld [tilespmem:s13+$0xFFFFFFF0];
	s15 =	sadd.s32 $0x80, s15  }
0x46: {  	v9 =	vld [tilespmem:s15+$0xFFFFFFC0];
	[tilespmem:s13+$0xFFFFFFD0] =	vst v7;
	v3 =	vmul.f32 v3, v0  }
0x47: {  	v7 =	vld [tilespmem:s15+$0xFFFFFFD0];
	[tilespmem:s13+$0xFFFFFFE0] =	vst v6;
	v4 =	vmul.f32 v4, v0  }
.Ltmp2:
0x48: {  	v10 =	vmov s14;
	v6 =	vld [tilespmem:s15+$0xFFFFFFE0];
	[tilespmem:s13+$0x0] =	vst v3;
	v2 =	vmul.f32 v2, v0;
	(pc) =	sbr.rel @p0 .LBB2_4-.Ltmp2, $4  }
0x49: {  	v10 =	vperm.xlane v1, v10;
	v3 =	vld [tilespmem:s15+$0x0];
	[tilespmem:s13+$0x10] =	vst v4;
	v5 =	vmul.f32 v5, v0  }
0x4a: {  	v4 =	vld [tilespmem:s15+$0x10];
	v11 =	vmul.f32 v8, v0;
	[tilespmem:s13+$0x20] =	vst v2  }
0x4b: {  	v0 =	vmov v10;
	v8 =	vmul.f32 v9, v10;
	v2 =	vld [tilespmem:s15+$0x20];
	[tilespmem:s13+$0x30] =	vst v5  }
0x4c: {  	s14 =	sadd.s32 $0x1, s14;
	v7 =	vmul.f32 v7, v0;
	v5 =	vld [tilespmem:s15+$0x30];
	[tilespmem:s13+$0xFFFFFFF0] =	vst v11;
	s13 =	smov.u32 s15  }
0x4d: {  	[tilespmem:s13+$0xFFFFFFC0] =	vst v8;
	v1 =	vmul.f32 v6, v0;
	v60 =	vld [tilespmem:s13+$0xFFFFFFF0]  }
0x4e: {  	s7 =	sadd.s32 $0x1, s7;
	[tilespmem:s13+$0xFFFFFFD0] =	vst v7;
	v3 =	vmul.f32 v3, v0  }
0x4f: {  	p0 =	sne.s32 s7, $0x8;
	[tilespmem:s13+$0xFFFFFFE0] =	vst v1;
	v61 =	vmul.f32 v4, v0  }
.Ltmp3:
0x50: {  	[tilespmem:s13+$0x0] =	vst v3;
	v2 =	vmul.f32 v2, v0;
	(pc) =	sbr.rel @p0 .LBB2_3-.Ltmp3, $4  }
0x51: {  	[tilespmem:s13+$0x10] =	vst v61;
	v62 =	vmul.f32 v5, v0  }
0x52: {  	v63 =	vmul.f32 v60, v0;
	[tilespmem:s13+$0x20] =	vst v2  }
0x53: {  	[tilespmem:s13+$0x30] =	vst v62  }
0x54: {  	s19 =	sadd.s32 $0x800, s19;
	[tilespmem:s13+$0xFFFFFFF0] =	vst v63  }
0x55: {  	[spmem:s2] =	stream.indirect.scatter.add.f32 [tilespmem:s21], [sflag:$0x7], $0x80, s20, s20, $0xb8;
	[tilespmem:$0x1BB80] =	vst v63  }
0x56: {  	s3 =	sshll.u32 s0, $0x1;
	p0 =	seq.s32 s0, $0x27  }
0x57: {  	s7 =	sadd.s32 @!p0 $0x2, s3  }
0x58: {  	s13 =	sshll.u32 @!p0 s7, $0x8  }
0x59: {  	_ =	swait.ge [sflag:s18], $0x4000;
	s13 =	sadd.s32 @!p0 s8, s13  }
0x5a: {  	s14 =	simm.s32 @!p0 $0x0;
	[sflag:s18] =	ssyncset.done $0x0;
	s13 =	sshrl.u32 @!p0 s13, $0x3  }
0x5b: {  	s7 =	sshll.u32 @!p0 s7, $0x7;
	[sflag:s18] =	ssyncadd.s32 $0xFFFFC000;
	s13 =	sadd.s32 @!p0 s5, s13  }
0x5c: {  	[tilespmem:s14], [sflag:$0x3] =	stream.linear.gather @!p0 [hbm4b:s13+s14], $0x100, $0x38;
	[tilespmem:$0x1BB80] =	vst v63  }
0x5d: {  	s13 =	sand.u32 @!p0 $0x7C00, s7  }
0x5e: {  	s7 =	sand.u32 @!p0 $0x300, s7;
	s13 =	sadd.s32 @!p0 s9, s13  }
0x5f: {  	s7 =	sor.u32 @!p0 s7, s13  }
0x60: {  	s7 =	sshrl.u32 @!p0 s7, $0x3  }
0x61: {  	s13 =	simm.s32 @!p0 $0x200;
	s7 =	sadd.s32 @!p0 s6, s7  }
0x62: {  	[tilespmem:s13], [sflag:$0x5] =	stream.linear.gather @!p0 [hbm4b:s7+s14], $0x80, $0x38;
	[tilespmem:$0x1BB80] =	vst v63  }
0x63: {  	s7 =	simm.s32 @!p0 $0x3  }
0x64: {  	_ =	swait.ge @!p0 [sflag:s7], $0x100  }
0x65: {  	[sflag:s7] =	ssyncset.done @!p0 $0x0  }
0x66: {  	[sflag:s7] =	ssyncadd.s32 @!p0 $0xFFFFFF00;
	s7 =	simm.s32 @!p0 $0x5  }
0x67: {  	_ =	swait.ge @!p0 [sflag:s7], $0x80  }
0x68: {  	[sflag:s7] =	ssyncset.done @!p0 $0x0  }
0x69: {  	s13 =	simm.s32 @!p0 $0x300;
	[sflag:s7] =	ssyncadd.s32 @!p0 $0xFFFFFF80;
	s7 =	simm.s32 @!p0 $0x80  }
0x6a: {  	[tilespmem:s13], [sflag:$0x1] =	stream.indirect.gather @!p0 [hbm4b:s1+s7], $0x80, s14, s7, $0xb8;
	[tilespmem:$0x1BB80] =	vst v63  }
0x6b: {  	_ =	swait.ge [sflag:s29], $0x4000  }
0x6c: {  	s19 =	simm.s32 $0x0;
	[sflag:s29] =	ssyncset.done $0x0  }
0x6d: {  	s16 =	simm.s32 $0x4340;
	s13 =	simm.s32 $0x0;
	[sflag:s29] =	ssyncadd.s32 $0xFFFFC000  }
.LBB2_7:
0x6e: {  	s7 =	sshll.u32 s13, $0x4  }
0x6f: {  	v1 =	vld [tilespmem:s7+$0x280];
	_ =	sdelay $0x1  }
0x70: {  	v5 =	vld [tilespmem:s16+$0xFFFFFFC0]  }
0x71: {  	v7 =	vld [tilespmem:s16+$0xFFFFFFD0]  }
0x72: {  	v6 =	vld [tilespmem:s16+$0xFFFFFFE0];
	v0 =	vmov s19  }
0x73: {  	v3 =	vld [tilespmem:s16+$0x0];
	v0 =	vperm.xlane v1, v0  }
0x74: {  	v4 =	vld [tilespmem:s16+$0x10]  }
0x75: {  	v2 =	vld [tilespmem:s16+$0x20];
	v8 =	vmul.f32 v5, v0  }
0x76: {  	s15 =	simm.s32 $0x1;
	s14 =	smov.u32 s16;
	s7 =	smov.u32 s16;
	v7 =	vmul.f32 v7, v0;
	v5 =	vld [tilespmem:s16+$0x30]  }
.LBB2_8:
0x77: {  	p1 =	sne.s32 s15, $0xF;
	[tilespmem:s7+$0xFFFFFFC0] =	vst v8;
	v6 =	vmul.f32 v6, v0;
	v8 =	vld [tilespmem:s7+$0xFFFFFFF0];
	s14 =	sadd.s32 $0x80, s14  }
0x78: {  	v9 =	vld [tilespmem:s14+$0xFFFFFFC0];
	[tilespmem:s7+$0xFFFFFFD0] =	vst v7;
	v3 =	vmul.f32 v3, v0  }
0x79: {  	v7 =	vld [tilespmem:s14+$0xFFFFFFD0];
	[tilespmem:s7+$0xFFFFFFE0] =	vst v6;
	v4 =	vmul.f32 v4, v0  }
.Ltmp4:
0x7a: {  	v10 =	vmov s15;
	v6 =	vld [tilespmem:s14+$0xFFFFFFE0];
	[tilespmem:s7+$0x0] =	vst v3;
	v2 =	vmul.f32 v2, v0;
	(pc) =	sbr.rel @p1 .LBB2_8-.Ltmp4, $4  }
0x7b: {  	v10 =	vperm.xlane v1, v10;
	v3 =	vld [tilespmem:s14+$0x0];
	[tilespmem:s7+$0x10] =	vst v4;
	v5 =	vmul.f32 v5, v0  }
0x7c: {  	v4 =	vld [tilespmem:s14+$0x10];
	v11 =	vmul.f32 v8, v0;
	[tilespmem:s7+$0x20] =	vst v2  }
0x7d: {  	v0 =	vmov v10;
	v8 =	vmul.f32 v9, v10;
	v2 =	vld [tilespmem:s14+$0x20];
	[tilespmem:s7+$0x30] =	vst v5  }
0x7e: {  	s15 =	sadd.s32 $0x1, s15;
	v7 =	vmul.f32 v7, v0;
	v5 =	vld [tilespmem:s14+$0x30];
	[tilespmem:s7+$0xFFFFFFF0] =	vst v11;
	s7 =	smov.u32 s14  }
0x7f: {  	[tilespmem:s7+$0xFFFFFFC0] =	vst v8;
	v1 =	vmul.f32 v6, v0;
	v60 =	vld [tilespmem:s7+$0xFFFFFFF0]  }
0x80: {  	s13 =	sadd.s32 $0x1, s13;
	[tilespmem:s7+$0xFFFFFFD0] =	vst v7;
	v3 =	vmul.f32 v3, v0  }
0x81: {  	p1 =	sne.s32 s13, $0x8;
	[tilespmem:s7+$0xFFFFFFE0] =	vst v1;
	v61 =	vmul.f32 v4, v0  }
.Ltmp5:
0x82: {  	[tilespmem:s7+$0x0] =	vst v3;
	v2 =	vmul.f32 v2, v0;
	(pc) =	sbr.rel @p1 .LBB2_7-.Ltmp5, $4  }
0x83: {  	[tilespmem:s7+$0x10] =	vst v61;
	v62 =	vmul.f32 v5, v0  }
0x84: {  	v63 =	vmul.f32 v60, v0;
	[tilespmem:s7+$0x20] =	vst v2  }
0x85: {  	[tilespmem:s7+$0x30] =	vst v62  }
0x86: {  	s16 =	sadd.s32 $0x800, s16;
	[tilespmem:s7+$0xFFFFFFF0] =	vst v63  }
.Ltmp6:
0x87: {  	(pc) =	sbr.rel @p0 .LBB2_12-.Ltmp6, $4  }
0x88: {  	[spmem:s2] =	stream.indirect.scatter.add.f32 [tilespmem:s26], [sflag:$0x7], $0x80, s30, s20, $0xb8;
	[tilespmem:$0x1BB80] =	vst v63  }
0x89: {  	_ =	swait.ge [sflag:s18], $0x4000  }
0x8a: {  	[sflag:s18] =	ssyncset.done $0x0  }
0x8b: {  	[sflag:s18] =	ssyncadd.s32 $0xFFFFC000  }
0x8c: {  	s3 =	sadd.s32 $0x3, s3  }
0x8d: {  	s7 =	sshll.u32 s3, $0x8  }
0x8e: {  	s7 =	sadd.s32 s8, s7  }
0x8f: {  	s3 =	sshll.u32 s3, $0x7;
	s7 =	sshrl.u32 s7, $0x3  }
0x90: {  	s19 =	sand.u32 $0x7C00, s3;
	s7 =	sadd.s32 s5, s7  }
0x91: {  	[tilespmem:s22], [sflag:$0x4] =	stream.linear.gather [hbm4b:s7+s4], $0x100, $0x38;
	[tilespmem:$0x1BB80] =	vst v63  }
.Ltmp7:
0x92: {  	s3 =	sand.u32 $0x380, s3;
	s7 =	sadd.s32 s9, s19;
	(pc) =	sbr.rel .LBB2_2-.Ltmp7, $4  }
0x93: {  	s3 =	sor.u32 s3, s7  }
0x94: {  	s3 =	sshrl.u32 s3, $0x3  }
0x95: {  	s0 =	sadd.s32 $0x1, s0;
	s3 =	sadd.s32 s6, s3  }
0x96: {  	[tilespmem:s23], [sflag:$0x6] =	stream.linear.gather [hbm4b:s3+s4], $0x80, $0x38;
	[tilespmem:$0x1BB80] =	vst v63  }
.LBB2_13:
0x97: {  	_ =	sfence.sel $0x180000  }
0x98: {  	[bflag:$0x0] =	sbarrier.arrive $0xFFFF  }
0x99: {  	_ =	strace $0x9000004A  }
0x9a: {  	s0 =	stileid.u32;
	[bflag:$0x2] =	sbarrier.arrive $0xFFFF  }
0x9b: {  	p0 =	sne.s32 s0, $0x0;
	s0 =	rddreg [dreg:$0x3]  }
0x9c: {  	s0 =	sadd.s32 @!p0 $0x100000, s0  }
0x9d: {  	[sflag:s0] =	ssyncadd.tile.s32 @!p0 $0x1;
	_ =	shalt  }
.Lfunc_end2:
_tile_overlayer_lowered:
.L_overlay_start_2:
0x9e: {  	(tag) =	ssettag $0x2  }
0x9f: {  	s0 =	rddreg [dreg:$0x0];
	s2 =	stileid.u32  }
0xa0: {  	s1 =	rddreg [dreg:$0x1];
	p0 =	sne.s32 s2, $0x0  }
0xa1: {  	s3 =	rddreg [dreg:$0x2];
	[bflag:$0x3] =	sbarrier.arrive $0xFFFF;
	s2 =	simm.s32 @!p0 $0x1C07  }
0xa2: {  	[timem:s3], [sflag:s2] =	dma.local @!p0 [hbm:s0], s1  }
0xa3: {  	s0 =	simm.s32 @!p0 $0x7  }
0xa4: {  	_ =	swait.ge @!p0 [sflag:s0], s1  }
0xa5: {  	s1 =	ssub.s32 @!p0 $0x0, s1;
	[sflag:s0] =	ssyncset.done @!p0 $0x0  }
0xa6: {  	[sflag:s0] =	ssyncadd.s32 @!p0 s1  }
0xa7: {  	[bflag:$0x3] =	sbarrier.arrive $0xFFFF  }
0xa8: {  	_ =	shalt  }

</sc_bundles>
